<compile_context>
chip_gen: v7x
topology: tpu7x:2x2x1
jax: 0.10.2.dev20260603
libtpu: 0.0.44.dev20260713+nightly
codegen_flags: <defaults>
</compile_context>

<pallas_src>
import functools

import jax
import jax.numpy as jnp
from jax import lax
from jax.experimental import pallas as pl
from jax.experimental.pallas import tpu as pltpu
from jax.experimental.pallas import tpu_sc as plsc

_NW = 32
_K = 128


def _mm_bias_kernel(x_ref, w_ref, b_ref, o_ref):
    o_ref[...] = (
        jnp.dot(x_ref[...], w_ref[...], preferred_element_type=jnp.float32)
        + b_ref[...]
    )


def _table_matmul(table, w, bias):
    V, D = table.shape
    Do = w.shape[1]
    BT = 2000 if V % 2000 == 0 else V
    return pl.pallas_call(
        _mm_bias_kernel,
        grid=(V // BT,),
        in_specs=[
            pl.BlockSpec((BT, D), lambda i: (i, 0)),
            pl.BlockSpec((D, Do), lambda i: (0, 0)),
            pl.BlockSpec((1, Do), lambda i: (0, 0)),
        ],
        out_specs=pl.BlockSpec((BT, Do), lambda i: (i, 0)),
        out_shape=jax.ShapeDtypeStruct((V, Do), jnp.float32),
    )(table, w, bias.reshape(1, Do))


def _relu_mm3d_kernel(h_ref, w_ref, b_ref, o_ref):
    h = jnp.maximum(h_ref[...], 0.0)
    o_ref[0] = (
        jnp.dot(h, w_ref[...], preferred_element_type=jnp.float32) + b_ref[...]
    )


def _relu_matmul(h_lm, w, bias, B, L):
    N, D = h_lm.shape
    Do = w.shape[1]
    BR = 2048
    nb = B // BR
    return pl.pallas_call(
        _relu_mm3d_kernel,
        grid=(L, nb),
        in_specs=[
            pl.BlockSpec((BR, D), lambda l, i: (l * nb + i, 0)),
            pl.BlockSpec((D, Do), lambda l, i: (0, 0)),
            pl.BlockSpec((1, Do), lambda l, i: (0, 0)),
        ],
        out_specs=pl.BlockSpec((1, BR, Do), lambda l, i: (l, i, 0)),
        out_shape=jax.ShapeDtypeStruct((L, B, Do), jnp.float32),
    )(h_lm, w, bias.reshape(1, Do))


def _sc_warmup(table):
    D = table.shape[1]
    n = 8 * _NW
    idx = jnp.zeros((n,), jnp.int32)
    mesh = plsc.VectorSubcoreMesh(core_axis_name="c", subcore_axis_name="s")

    def body(idx_hbm, tbl_hbm, out_hbm, idx_v, rows_v, sem):
        w = lax.axis_index("s") * 2 + lax.axis_index("c")
        pltpu.sync_copy(idx_hbm.at[pl.ds(w * 8, 8)], idx_v)
        pltpu.async_copy(tbl_hbm.at[idx_v], rows_v, sem).wait()
        pltpu.sync_copy(rows_v, out_hbm.at[pl.ds(w * 8, 8)])

    fn = pl.kernel(
        body,
        out_type=jax.ShapeDtypeStruct((n, D), jnp.float32),
        mesh=mesh,
        scratch_types=[
            pltpu.VMEM((8,), jnp.int32),
            pltpu.VMEM((8, D), jnp.float32),
            pltpu.SemaphoreType.DMA,
        ],
    )
    return fn(idx, table)


def _gather_add(lvl_idx, tag_idx, g_lvl, g_tag):
    N = lvl_idx.shape[0]
    D = g_lvl.shape[1]
    assert N % (_NW * _K) == 0
    per_w = N // _NW
    nchunk = per_w // _K
    nv = D // 16

    mesh = plsc.VectorSubcoreMesh(core_axis_name="c", subcore_axis_name="s")

    def body(lvl_hbm, tag_hbm, gl_hbm, gt_hbm, out_hbm,
             il0, il1, it0, it1, rl0, rl1, rt0, rt1,
             sl0, sl1, st0, st1):
        ils = (il0, il1)
        its = (it0, it1)
        rls = (rl0, rl1)
        rts = (rt0, rt1)
        sls = (sl0, sl1)
        sts = (st0, st1)
        w = lax.axis_index("s") * 2 + lax.axis_index("c")
        wbase = w * per_w

        def issue(c, b):
            base = wbase + c * _K
            pltpu.sync_copy(lvl_hbm.at[pl.ds(base, _K)], ils[b])
            pltpu.sync_copy(tag_hbm.at[pl.ds(base, _K)], its[b])
            pltpu.async_copy(gl_hbm.at[ils[b]], rls[b], sls[b])
            pltpu.async_copy(gt_hbm.at[its[b]], rts[b], sts[b])

        issue(0, 0)
        issue(1, 1)

        @pl.loop(0, nchunk, step=2)
        def _chunks(g):
            for b in range(2):
                c = g + b
                pltpu.make_async_copy(gl_hbm.at[ils[b]], rls[b], sls[b]).wait()
                pltpu.make_async_copy(gt_hbm.at[its[b]], rts[b], sts[b]).wait()

                @pl.loop(0, _K)
                def _rows(r):
                    for v in range(nv):
                        sl = pl.ds(v * 16, 16)
                        rts[b][r, sl] = rls[b][r, sl] + rts[b][r, sl]

                pltpu.sync_copy(rts[b], out_hbm.at[pl.ds(wbase + c * _K, _K)])

                @pl.when(c + 2 < nchunk)
                def _():
                    issue(c + 2, b)

    fn = pl.kernel(
        body,
        out_type=jax.ShapeDtypeStruct((N, D), jnp.float32),
        mesh=mesh,
        scratch_types=[
            pltpu.VMEM((_K,), jnp.int32),
            pltpu.VMEM((_K,), jnp.int32),
            pltpu.VMEM((_K,), jnp.int32),
            pltpu.VMEM((_K,), jnp.int32),
            pltpu.VMEM((_K, D), jnp.float32),
            pltpu.VMEM((_K, D), jnp.float32),
            pltpu.VMEM((_K, D), jnp.float32),
            pltpu.VMEM((_K, D), jnp.float32),
            pltpu.SemaphoreType.DMA,
            pltpu.SemaphoreType.DMA,
            pltpu.SemaphoreType.DMA,
            pltpu.SemaphoreType.DMA,
        ],
    )
    return fn(lvl_idx, tag_idx, g_lvl, g_tag)


def kernel(level, tag, level_table, tag_table, W1, b1, W2, b2):
    B, L = level.shape
    D = level_table.shape[1]
    N = B * L
    g_lvl = _table_matmul(level_table, W1[:D], b1)
    g_tag = _table_matmul(tag_table, W1[D:], jnp.zeros((D,), jnp.float32))
    warm = _sc_warmup(level_table)
    dep = (warm[0, 0] * 0.0).astype(jnp.int32)
    lvl_lm = jnp.transpose(level).reshape(N) + dep
    tag_lm = jnp.transpose(tag).reshape(N)
    h_lm = _gather_add(lvl_lm, tag_lm, g_lvl, g_tag)
    out_lm = _relu_matmul(h_lm, W2, b2, B, L)
    return jnp.transpose(out_lm, (1, 0, 2))

# --- scband reference (transcript-rebuilt; emitter-appended) ---
"""Pipeline reference for scband-item-encoder-26456998544003 (READ-ONLY COPY).

The authoritative reference and input builder live on the scoring server;
editing this copy changes nothing except your own understanding.
"""

import jax, jax.numpy as jnp
import numpy as np

LEVEL_VOCAB = 1000
TAG_VOCAB = 100000
EMBED_DIM = 128
B = 16384
L = 50

def setup_inputs(seed: int = 0) -> dict:
    key = jax.random.key(seed)
    k1, k2, k3, k4, k5, k6 = jax.random.split(key, 6)
    level = jax.random.randint(k1, (B, L), 0, LEVEL_VOCAB, dtype=jnp.int64 if jax.config.jax_enable_x64 else jnp.int32).astype(jnp.int32)
    tag = jax.random.randint(k2, (B, L), 0, TAG_VOCAB, dtype=jnp.int32)
    level_table = jax.random.normal(k3, (LEVEL_VOCAB, EMBED_DIM), dtype=jnp.float32)
    tag_table = jax.random.normal(k4, (TAG_VOCAB, EMBED_DIM), dtype=jnp.float32)
    W1 = jax.random.normal(k5, (2 * EMBED_DIM, EMBED_DIM), dtype=jnp.float32) * (1.0 / np.sqrt(2 * EMBED_DIM))
    b1 = jnp.zeros((EMBED_DIM,), dtype=jnp.float32)
    W2 = jax.random.normal(k6, (EMBED_DIM, EMBED_DIM), dtype=jnp.float32) * (1.0 / np.sqrt(EMBED_DIM))
    b2 = jnp.zeros((EMBED_DIM,), dtype=jnp.float32)
    return {"level": level, "tag": tag, "level_table": level_table, "tag_table": tag_table, "W1": W1, "b1": b1, "W2": W2, "b2": b2}

def reference(level, tag, level_table, tag_table, W1, b1, W2, b2):
    level_embed = jnp.take(level_table, level, axis=0)
    tag_embed = jnp.take(tag_table, tag, axis=0)
    x = jnp.concatenate([level_embed, tag_embed], axis=-1)
    h = jnp.maximum(x @ W1 + b1, 0.0)
    out = h @ W2 + b2
    return out

if __name__ == "__main__":
    import jax
    _d = setup_inputs()
    print(jax.jit(kernel)(*tuple(_d.values())))

</pallas_src>

<mosaic_0001>
#map = affine_map<(d0, d1) -> (0)>
#map1 = affine_map<(d0, d1) -> (0, 0)>
module attributes {stable_mosaic.version = 14 : i64} {
  func.func @body(%arg0: i32, %arg1: i32, %arg2: memref<256xi32, #tpu.memory_space<hbm>>, %arg3: memref<1000x128xf32, #tpu.memory_space<hbm>>, %arg4: memref<256x128xf32, #tpu.memory_space<hbm>>, %arg5: memref<8xi32, #tpu.memory_space<vmem>>, %arg6: memref<8x128xf32, #tpu.memory_space<vmem>>, %arg7: memref<!tpu.dma_semaphore, #tpu.memory_space<semaphore_mem>>) attributes {dimension_semantics = [#tpu.dimension_semantics<core_parallel>, #tpu.dimension_semantics<subcore_parallel>], iteration_bounds = array<i64: 2, 16>, scalar_prefetch = 0 : i64, scratch_operands = 3 : i64, tpu.core_type = #tpu.core_type<sc_vector_subcore>, window_params = [{transform_indices = #map}, {transform_indices = #map1}, {transform_indices = #map1}]} {
    %mul3A = arith.constant 2 : i32
    %mul3A_0 = arith.muli %arg1, %mul3A : i32
    %add3A = arith.addi %mul3A_0, %arg0 : i32
    %mul3A_1 = arith.constant 8 : i32
    %mul3A_2 = arith.muli %add3A, %mul3A_1 : i32
    "tpu.region"() ({
      %run_scoped3A = tpu.sem_alloc : memref<!tpu.dma_semaphore, #tpu.memory_space<semaphore_mem>>
      %dma_start3A_9 = tpu.memref_slice %arg2[%mul3A_2] : memref<256xi32, #tpu.memory_space<hbm>> -> memref<8xi32, #tpu.memory_space<hbm>>
      %dma_start3A_10 = tpu.memref_slice %arg2[%mul3A_2] : memref<256xi32, #tpu.memory_space<hbm>> -> memref<8xi32, #tpu.memory_space<hbm>>
      tpu.enqueue_dma source(%dma_start3A_10 : memref<8xi32, #tpu.memory_space<hbm>>) target(%arg5 : memref<8xi32, #tpu.memory_space<vmem>>) target_semaphore(%run_scoped3A : memref<!tpu.dma_semaphore, #tpu.memory_space<semaphore_mem>>)
      %dma_wait3A_11 = tpu.memref_slice %arg2[%mul3A_2] : memref<256xi32, #tpu.memory_space<hbm>> -> memref<8xi32, #tpu.memory_space<hbm>>
      %dma_wait3A_12 = tpu.memref_slice %arg2[%mul3A_2] : memref<256xi32, #tpu.memory_space<hbm>> -> memref<8xi32, #tpu.memory_space<hbm>>
      tpu.wait_dma2 semaphore(%run_scoped3A : memref<!tpu.dma_semaphore, #tpu.memory_space<semaphore_mem>>) src(%dma_wait3A_12 : memref<8xi32, #tpu.memory_space<hbm>>) dst(%arg5 : memref<8xi32, #tpu.memory_space<vmem>>)
      tpu.yield
    }) : () -> ()
    %dma_start3A = arith.constant 0 : i32
    %dma_start3A_3 = arith.constant 0 : i32
    %dma_start3A_4 = tpu.memref_slice %arg3[%dma_start3A, %dma_start3A_3] : memref<1000x128xf32, #tpu.memory_space<hbm>> -> memref<1000x128xf32, #tpu.memory_space<hbm>>
    tpu.enqueue_indirect_dma source(%dma_start3A_4 : memref<1000x128xf32, #tpu.memory_space<hbm>>) target(%arg6 : memref<8x128xf32, #tpu.memory_space<vmem>>) offsets(%arg5 : memref<8xi32, #tpu.memory_space<vmem>>) semaphore(%arg7 : memref<!tpu.dma_semaphore, #tpu.memory_space<semaphore_mem>>)
    %dma_wait3A = arith.constant 0 : i32
    %dma_wait3A_5 = arith.constant 0 : i32
    %dma_wait3A_6 = tpu.memref_slice %arg3[%dma_wait3A, %dma_wait3A_5] : memref<1000x128xf32, #tpu.memory_space<hbm>> -> memref<1000x128xf32, #tpu.memory_space<hbm>>
    tpu.wait_indirect_dma semaphore(%arg7 : memref<!tpu.dma_semaphore, #tpu.memory_space<semaphore_mem>>) src(%dma_wait3A_6 : memref<1000x128xf32, #tpu.memory_space<hbm>>) dst(%arg6 : memref<8x128xf32, #tpu.memory_space<vmem>>)
    %mul3A_7 = arith.constant 8 : i32
    %mul3A_8 = arith.muli %add3A, %mul3A_7 : i32
    "tpu.region"() ({
      %run_scoped3A = tpu.sem_alloc : memref<!tpu.dma_semaphore, #tpu.memory_space<semaphore_mem>>
      %dma_start3A_9 = arith.constant 0 : i32
      %dma_start3A_10 = tpu.memref_slice %arg4[%mul3A_8, %dma_start3A_9] : memref<256x128xf32, #tpu.memory_space<hbm>> -> memref<8x128xf32, #tpu.memory_space<hbm>>
      %dma_start3A_11 = arith.constant 0 : i32
      %dma_start3A_12 = tpu.memref_slice %arg4[%mul3A_8, %dma_start3A_11] : memref<256x128xf32, #tpu.memory_space<hbm>> -> memref<8x128xf32, #tpu.memory_space<hbm>>
      tpu.enqueue_dma source(%arg6 : memref<8x128xf32, #tpu.memory_space<vmem>>) target(%dma_start3A_12 : memref<8x128xf32, #tpu.memory_space<hbm>>) target_semaphore(%run_scoped3A : memref<!tpu.dma_semaphore, #tpu.memory_space<semaphore_mem>>)
      %dma_wait3A_13 = arith.constant 0 : i32
      %dma_wait3A_14 = tpu.memref_slice %arg4[%mul3A_8, %dma_wait3A_13] : memref<256x128xf32, #tpu.memory_space<hbm>> -> memref<8x128xf32, #tpu.memory_space<hbm>>
      %dma_wait3A_15 = arith.constant 0 : i32
      %dma_wait3A_16 = tpu.memref_slice %arg4[%mul3A_8, %dma_wait3A_15] : memref<256x128xf32, #tpu.memory_space<hbm>> -> memref<8x128xf32, #tpu.memory_space<hbm>>
      tpu.wait_dma2 semaphore(%run_scoped3A : memref<!tpu.dma_semaphore, #tpu.memory_space<semaphore_mem>>) src(%arg6 : memref<8x128xf32, #tpu.memory_space<vmem>>) dst(%dma_wait3A_16 : memref<8x128xf32, #tpu.memory_space<hbm>>)
      tpu.yield
    }) : () -> ()
    return
  }
}

#map = affine_map<(d0, d1) -> (0)>
#map1 = affine_map<(d0, d1) -> (0, 0)>
module attributes {stable_mosaic.version = 14 : i64} {
  func.func @body(%arg0: i32, %arg1: i32, %arg2: memref<819200xi32, #tpu.memory_space<hbm>>, %arg3: memref<819200xi32, #tpu.memory_space<hbm>>, %arg4: memref<1000x128xf32, #tpu.memory_space<hbm>>, %arg5: memref<100000x128xf32, #tpu.memory_space<hbm>>, %arg6: memref<819200x128xf32, #tpu.memory_space<hbm>>, %arg7: memref<128xi32, #tpu.memory_space<vmem>>, %arg8: memref<128xi32, #tpu.memory_space<vmem>>, %arg9: memref<128xi32, #tpu.memory_space<vmem>>, %arg10: memref<128xi32, #tpu.memory_space<vmem>>, %arg11: memref<128x128xf32, #tpu.memory_space<vmem>>, %arg12: memref<128x128xf32, #tpu.memory_space<vmem>>, %arg13: memref<128x128xf32, #tpu.memory_space<vmem>>, %arg14: memref<128x128xf32, #tpu.memory_space<vmem>>, %arg15: memref<!tpu.dma_semaphore, #tpu.memory_space<semaphore_mem>>, %arg16: memref<!tpu.dma_semaphore, #tpu.memory_space<semaphore_mem>>, %arg17: memref<!tpu.dma_semaphore, #tpu.memory_space<semaphore_mem>>, %arg18: memref<!tpu.dma_semaphore, #tpu.memory_space<semaphore_mem>>) attributes {dimension_semantics = [#tpu.dimension_semantics<core_parallel>, #tpu.dimension_semantics<subcore_parallel>], iteration_bounds = array<i64: 2, 16>, scalar_prefetch = 0 : i64, scratch_operands = 12 : i64, tpu.core_type = #tpu.core_type<sc_vector_subcore>, window_params = [{transform_indices = #map}, {transform_indices = #map}, {transform_indices = #map1}, {transform_indices = #map1}, {transform_indices = #map1}]} {
    %mul3A = arith.constant 2 : i32
    %mul3A_0 = arith.muli %arg1, %mul3A : i32
    %add3A = arith.addi %mul3A_0, %arg0 : i32
    %mul3A_1 = arith.constant 25600 : i32
    %mul3A_2 = arith.muli %add3A, %mul3A_1 : i32
    %add3A_3 = arith.constant 0 : i32
    %add3A_4 = arith.addi %mul3A_2, %add3A_3 : i32
    "tpu.region"() ({
      %run_scoped3A = tpu.sem_alloc : memref<!tpu.dma_semaphore, #tpu.memory_space<semaphore_mem>>
      %dma_start3A_22 = tpu.memref_slice %arg2[%add3A_4] : memref<819200xi32, #tpu.memory_space<hbm>> -> memref<128xi32, #tpu.memory_space<hbm>>
      %dma_start3A_23 = tpu.memref_slice %arg2[%add3A_4] : memref<819200xi32, #tpu.memory_space<hbm>> -> memref<128xi32, #tpu.memory_space<hbm>>
      tpu.enqueue_dma source(%dma_start3A_23 : memref<128xi32, #tpu.memory_space<hbm>>) target(%arg7 : memref<128xi32, #tpu.memory_space<vmem>>) target_semaphore(%run_scoped3A : memref<!tpu.dma_semaphore, #tpu.memory_space<semaphore_mem>>)
      %dma_wait3A = tpu.memref_slice %arg2[%add3A_4] : memref<819200xi32, #tpu.memory_space<hbm>> -> memref<128xi32, #tpu.memory_space<hbm>>
      %dma_wait3A_24 = tpu.memref_slice %arg2[%add3A_4] : memref<819200xi32, #tpu.memory_space<hbm>> -> memref<128xi32, #tpu.memory_space<hbm>>
      tpu.wait_dma2 semaphore(%run_scoped3A : memref<!tpu.dma_semaphore, #tpu.memory_space<semaphore_mem>>) src(%dma_wait3A_24 : memref<128xi32, #tpu.memory_space<hbm>>) dst(%arg7 : memref<128xi32, #tpu.memory_space<vmem>>)
      tpu.yield
    }) : () -> ()
    "tpu.region"() ({
      %run_scoped3A = tpu.sem_alloc : memref<!tpu.dma_semaphore, #tpu.memory_space<semaphore_mem>>
      %dma_start3A_22 = tpu.memref_slice %arg3[%add3A_4] : memref<819200xi32, #tpu.memory_space<hbm>> -> memref<128xi32, #tpu.memory_space<hbm>>
      %dma_start3A_23 = tpu.memref_slice %arg3[%add3A_4] : memref<819200xi32, #tpu.memory_space<hbm>> -> memref<128xi32, #tpu.memory_space<hbm>>
      tpu.enqueue_dma source(%dma_start3A_23 : memref<128xi32, #tpu.memory_space<hbm>>) target(%arg9 : memref<128xi32, #tpu.memory_space<vmem>>) target_semaphore(%run_scoped3A : memref<!tpu.dma_semaphore, #tpu.memory_space<semaphore_mem>>)
      %dma_wait3A = tpu.memref_slice %arg3[%add3A_4] : memref<819200xi32, #tpu.memory_space<hbm>> -> memref<128xi32, #tpu.memory_space<hbm>>
      %dma_wait3A_24 = tpu.memref_slice %arg3[%add3A_4] : memref<819200xi32, #tpu.memory_space<hbm>> -> memref<128xi32, #tpu.memory_space<hbm>>
      tpu.wait_dma2 semaphore(%run_scoped3A : memref<!tpu.dma_semaphore, #tpu.memory_space<semaphore_mem>>) src(%dma_wait3A_24 : memref<128xi32, #tpu.memory_space<hbm>>) dst(%arg9 : memref<128xi32, #tpu.memory_space<vmem>>)
      tpu.yield
    }) : () -> ()
    %dma_start3A = arith.constant 0 : i32
    %dma_start3A_5 = arith.constant 0 : i32
    %dma_start3A_6 = tpu.memref_slice %arg4[%dma_start3A, %dma_start3A_5] : memref<1000x128xf32, #tpu.memory_space<hbm>> -> memref<1000x128xf32, #tpu.memory_space<hbm>>
    tpu.enqueue_indirect_dma source(%dma_start3A_6 : memref<1000x128xf32, #tpu.memory_space<hbm>>) target(%arg11 : memref<128x128xf32, #tpu.memory_space<vmem>>) offsets(%arg7 : memref<128xi32, #tpu.memory_space<vmem>>) semaphore(%arg15 : memref<!tpu.dma_semaphore, #tpu.memory_space<semaphore_mem>>)
    %dma_start3A_7 = arith.constant 0 : i32
    %dma_start3A_8 = arith.constant 0 : i32
    %dma_start3A_9 = tpu.memref_slice %arg5[%dma_start3A_7, %dma_start3A_8] : memref<100000x128xf32, #tpu.memory_space<hbm>> -> memref<100000x128xf32, #tpu.memory_space<hbm>>
    tpu.enqueue_indirect_dma source(%dma_start3A_9 : memref<100000x128xf32, #tpu.memory_space<hbm>>) target(%arg13 : memref<128x128xf32, #tpu.memory_space<vmem>>) offsets(%arg9 : memref<128xi32, #tpu.memory_space<vmem>>) semaphore(%arg17 : memref<!tpu.dma_semaphore, #tpu.memory_space<semaphore_mem>>)
    %add3A_10 = arith.constant 128 : i32
    %add3A_11 = arith.addi %mul3A_2, %add3A_10 : i32
    "tpu.region"() ({
      %run_scoped3A = tpu.sem_alloc : memref<!tpu.dma_semaphore, #tpu.memory_space<semaphore_mem>>
      %dma_start3A_22 = tpu.memref_slice %arg2[%add3A_11] : memref<819200xi32, #tpu.memory_space<hbm>> -> memref<128xi32, #tpu.memory_space<hbm>>
      %dma_start3A_23 = tpu.memref_slice %arg2[%add3A_11] : memref<819200xi32, #tpu.memory_space<hbm>> -> memref<128xi32, #tpu.memory_space<hbm>>
      tpu.enqueue_dma source(%dma_start3A_23 : memref<128xi32, #tpu.memory_space<hbm>>) target(%arg8 : memref<128xi32, #tpu.memory_space<vmem>>) target_semaphore(%run_scoped3A : memref<!tpu.dma_semaphore, #tpu.memory_space<semaphore_mem>>)
      %dma_wait3A = tpu.memref_slice %arg2[%add3A_11] : memref<819200xi32, #tpu.memory_space<hbm>> -> memref<128xi32, #tpu.memory_space<hbm>>
      %dma_wait3A_24 = tpu.memref_slice %arg2[%add3A_11] : memref<819200xi32, #tpu.memory_space<hbm>> -> memref<128xi32, #tpu.memory_space<hbm>>
      tpu.wait_dma2 semaphore(%run_scoped3A : memref<!tpu.dma_semaphore, #tpu.memory_space<semaphore_mem>>) src(%dma_wait3A_24 : memref<128xi32, #tpu.memory_space<hbm>>) dst(%arg8 : memref<128xi32, #tpu.memory_space<vmem>>)
      tpu.yield
    }) : () -> ()
    "tpu.region"() ({
      %run_scoped3A = tpu.sem_alloc : memref<!tpu.dma_semaphore, #tpu.memory_space<semaphore_mem>>
      %dma_start3A_22 = tpu.memref_slice %arg3[%add3A_11] : memref<819200xi32, #tpu.memory_space<hbm>> -> memref<128xi32, #tpu.memory_space<hbm>>
      %dma_start3A_23 = tpu.memref_slice %arg3[%add3A_11] : memref<819200xi32, #tpu.memory_space<hbm>> -> memref<128xi32, #tpu.memory_space<hbm>>
      tpu.enqueue_dma source(%dma_start3A_23 : memref<128xi32, #tpu.memory_space<hbm>>) target(%arg10 : memref<128xi32, #tpu.memory_space<vmem>>) target_semaphore(%run_scoped3A : memref<!tpu.dma_semaphore, #tpu.memory_space<semaphore_mem>>)
      %dma_wait3A = tpu.memref_slice %arg3[%add3A_11] : memref<819200xi32, #tpu.memory_space<hbm>> -> memref<128xi32, #tpu.memory_space<hbm>>
      %dma_wait3A_24 = tpu.memref_slice %arg3[%add3A_11] : memref<819200xi32, #tpu.memory_space<hbm>> -> memref<128xi32, #tpu.memory_space<hbm>>
      tpu.wait_dma2 semaphore(%run_scoped3A : memref<!tpu.dma_semaphore, #tpu.memory_space<semaphore_mem>>) src(%dma_wait3A_24 : memref<128xi32, #tpu.memory_space<hbm>>) dst(%arg10 : memref<128xi32, #tpu.memory_space<vmem>>)
      tpu.yield
    }) : () -> ()
    %dma_start3A_12 = arith.constant 0 : i32
    %dma_start3A_13 = arith.constant 0 : i32
    %dma_start3A_14 = tpu.memref_slice %arg4[%dma_start3A_12, %dma_start3A_13] : memref<1000x128xf32, #tpu.memory_space<hbm>> -> memref<1000x128xf32, #tpu.memory_space<hbm>>
    tpu.enqueue_indirect_dma source(%dma_start3A_14 : memref<1000x128xf32, #tpu.memory_space<hbm>>) target(%arg12 : memref<128x128xf32, #tpu.memory_space<vmem>>) offsets(%arg8 : memref<128xi32, #tpu.memory_space<vmem>>) semaphore(%arg16 : memref<!tpu.dma_semaphore, #tpu.memory_space<semaphore_mem>>)
    %dma_start3A_15 = arith.constant 0 : i32
    %dma_start3A_16 = arith.constant 0 : i32
    %dma_start3A_17 = tpu.memref_slice %arg5[%dma_start3A_15, %dma_start3A_16] : memref<100000x128xf32, #tpu.memory_space<hbm>> -> memref<100000x128xf32, #tpu.memory_space<hbm>>
    tpu.enqueue_indirect_dma source(%dma_start3A_17 : memref<100000x128xf32, #tpu.memory_space<hbm>>) target(%arg14 : memref<128x128xf32, #tpu.memory_space<vmem>>) offsets(%arg10 : memref<128xi32, #tpu.memory_space<vmem>>) semaphore(%arg18 : memref<!tpu.dma_semaphore, #tpu.memory_space<semaphore_mem>>)
    %scan3A = arith.constant 0 : i32
    %scan3A_18 = arith.constant 100 : i32
    %scan3A_19 = arith.addi %scan3A, %scan3A_18 : i32
    %scan3A_20 = arith.constant 1 : i32
    scf.for %scan3A_22 = %scan3A to %scan3A_19 step %scan3A_20  : i32 {
      %mul3A_23 = arith.constant 2 : i32
      %mul3A_24 = arith.muli %scan3A_22, %mul3A_23 : i32
      %add3A_25 = arith.constant 0 : i32
      %add3A_26 = arith.addi %add3A_25, %mul3A_24 : i32
      %add3A_27 = arith.constant 0 : i32
      %add3A_28 = arith.addi %add3A_26, %add3A_27 : i32
      %dma_wait3A = arith.constant 0 : i32
      %dma_wait3A_29 = arith.constant 0 : i32
      %dma_wait3A_30 = tpu.memref_slice %arg4[%dma_wait3A, %dma_wait3A_29] : memref<1000x128xf32, #tpu.memory_space<hbm>> -> memref<1000x128xf32, #tpu.memory_space<hbm>>
      tpu.wait_indirect_dma semaphore(%arg15 : memref<!tpu.dma_semaphore, #tpu.memory_space<semaphore_mem>>) src(%dma_wait3A_30 : memref<1000x128xf32, #tpu.memory_space<hbm>>) dst(%arg11 : memref<128x128xf32, #tpu.memory_space<vmem>>)
      %dma_wait3A_31 = arith.constant 0 : i32
      %dma_wait3A_32 = arith.constant 0 : i32
      %dma_wait3A_33 = tpu.memref_slice %arg5[%dma_wait3A_31, %dma_wait3A_32] : memref<100000x128xf32, #tpu.memory_space<hbm>> -> memref<100000x128xf32, #tpu.memory_space<hbm>>
      tpu.wait_indirect_dma semaphore(%arg17 : memref<!tpu.dma_semaphore, #tpu.memory_space<semaphore_mem>>) src(%dma_wait3A_33 : memref<100000x128xf32, #tpu.memory_space<hbm>>) dst(%arg13 : memref<128x128xf32, #tpu.memory_space<vmem>>)
      %scan3A_34 = arith.constant 0 : i32
      %scan3A_35 = arith.constant 128 : i32
      %scan3A_36 = arith.addi %scan3A_34, %scan3A_35 : i32
      %scan3A_37 = arith.constant 1 : i32
      scf.for %scan3A_69 = %scan3A_34 to %scan3A_36 step %scan3A_37  : i32 {
        %mul3A_70 = arith.constant 1 : i32
        %mul3A_71 = arith.muli %scan3A_69, %mul3A_70 : i32
        %add3A_72 = arith.constant 0 : i32
        %add3A_73 = arith.addi %add3A_72, %mul3A_71 : i32
        %get3A = arith.index_cast %add3A_73 : i32 to index
        %get3A_74 = arith.constant 0 : index
        %get3A_75 = tpu.vector_load %arg11[%get3A, %get3A_74] {strides = array<i32>} : memref<128x128xf32, #tpu.memory_space<vmem>>, vector<1x16xf32>,
        %get3A_76 = vector.shape_cast %get3A_75 : vector<1x16xf32> to vector<16xf32>
        %get3A_77 = arith.index_cast %add3A_73 : i32 to index
        %get3A_78 = arith.constant 0 : index
        %get3A_79 = tpu.vector_load %arg13[%get3A_77, %get3A_78] {strides = array<i32>} : memref<128x128xf32, #tpu.memory_space<vmem>>, vector<1x16xf32>,
        %get3A_80 = vector.shape_cast %get3A_79 : vector<1x16xf32> to vector<16xf32>
        %add3A_81 = arith.addf %get3A_76, %get3A_80 : vector<16xf32>
        %swap3A = arith.index_cast %add3A_73 : i32 to index
        %swap3A_82 = arith.constant 0 : index
        %swap3A_83 = tpu.vector_load %arg13[%swap3A, %swap3A_82] {strides = array<i32>} : memref<128x128xf32, #tpu.memory_space<vmem>>, vector<1x16xf32>,
        %swap3A_84 = vector.shape_cast %swap3A_83 : vector<1x16xf32> to vector<16xf32>
        %swap3A_85 = vector.shape_cast %add3A_81 : vector<16xf32> to vector<1x16xf32>
        tpu.vector_store %arg13[%swap3A, %swap3A_82], %swap3A_85 {strides = array<i32>} : memref<128x128xf32, #tpu.memory_space<vmem>>, vector<1x16xf32>,
        %get3A_86 = arith.index_cast %add3A_73 : i32 to index
        %get3A_87 = arith.constant 16 : index
        %get3A_88 = tpu.vector_load %arg11[%get3A_86, %get3A_87] {strides = array<i32>} : memref<128x128xf32, #tpu.memory_space<vmem>>, vector<1x16xf32>,
        %get3A_89 = vector.shape_cast %get3A_88 : vector<1x16xf32> to vector<16xf32>
        %get3A_90 = arith.index_cast %add3A_73 : i32 to index
        %get3A_91 = arith.constant 16 : index
        %get3A_92 = tpu.vector_load %arg13[%get3A_90, %get3A_91] {strides = array<i32>} : memref<128x128xf32, #tpu.memory_space<vmem>>, vector<1x16xf32>,
        %get3A_93 = vector.shape_cast %get3A_92 : vector<1x16xf32> to vector<16xf32>
        %add3A_94 = arith.addf %get3A_89, %get3A_93 : vector<16xf32>
        %swap3A_95 = arith.index_cast %add3A_73 : i32 to index
        %swap3A_96 = arith.constant 16 : index
        %swap3A_97 = tpu.vector_load %arg13[%swap3A_95, %swap3A_96] {strides = array<i32>} : memref<128x128xf32, #tpu.memory_space<vmem>>, vector<1x16xf32>,
        %swap3A_98 = vector.shape_cast %swap3A_97 : vector<1x16xf32> to vector<16xf32>
        %swap3A_99 = vector.shape_cast %add3A_94 : vector<16xf32> to vector<1x16xf32>
        tpu.vector_store %arg13[%swap3A_95, %swap3A_96], %swap3A_99 {strides = array<i32>} : memref<128x128xf32, #tpu.memory_space<vmem>>, vector<1x16xf32>,
        %get3A_100 = arith.index_cast %add3A_73 : i32 to index
        %get3A_101 = arith.constant 32 : index
        %get3A_102 = tpu.vector_load %arg11[%get3A_100, %get3A_101] {strides = array<i32>} : memref<128x128xf32, #tpu.memory_space<vmem>>, vector<1x16xf32>,
        %get3A_103 = vector.shape_cast %get3A_102 : vector<1x16xf32> to vector<16xf32>
        %get3A_104 = arith.index_cast %add3A_73 : i32 to index
        %get3A_105 = arith.constant 32 : index
        %get3A_106 = tpu.vector_load %arg13[%get3A_104, %get3A_105] {strides = array<i32>} : memref<128x128xf32, #tpu.memory_space<vmem>>, vector<1x16xf32>,
        %get3A_107 = vector.shape_cast %get3A_106 : vector<1x16xf32> to vector<16xf32>
        %add3A_108 = arith.addf %get3A_103, %get3A_107 : vector<16xf32>
        %swap3A_109 = arith.index_cast %add3A_73 : i32 to index
        %swap3A_110 = arith.constant 32 : index
        %swap3A_111 = tpu.vector_load %arg13[%swap3A_109, %swap3A_110] {strides = array<i32>} : memref<128x128xf32, #tpu.memory_space<vmem>>, vector<1x16xf32>,
        %swap3A_112 = vector.shape_cast %swap3A_111 : vector<1x16xf32> to vector<16xf32>
        %swap3A_113 = vector.shape_cast %add3A_108 : vector<16xf32> to vector<1x16xf32>
        tpu.vector_store %arg13[%swap3A_109, %swap3A_110], %swap3A_113 {strides = array<i32>} : memref<128x128xf32, #tpu.memory_space<vmem>>, vector<1x16xf32>,
        %get3A_114 = arith.index_cast %add3A_73 : i32 to index
        %get3A_115 = arith.constant 48 : index
        %get3A_116 = tpu.vector_load %arg11[%get3A_114, %get3A_115] {strides = array<i32>} : memref<128x128xf32, #tpu.memory_space<vmem>>, vector<1x16xf32>,
        %get3A_117 = vector.shape_cast %get3A_116 : vector<1x16xf32> to vector<16xf32>
        %get3A_118 = arith.index_cast %add3A_73 : i32 to index
        %get3A_119 = arith.constant 48 : index
        %get3A_120 = tpu.vector_load %arg13[%get3A_118, %get3A_119] {strides = array<i32>} : memref<128x128xf32, #tpu.memory_space<vmem>>, vector<1x16xf32>,
        %get3A_121 = vector.shape_cast %get3A_120 : vector<1x16xf32> to vector<16xf32>
        %add3A_122 = arith.addf %get3A_117, %get3A_121 : vector<16xf32>
        %swap3A_123 = arith.index_cast %add3A_73 : i32 to index
        %swap3A_124 = arith.constant 48 : index
        %swap3A_125 = tpu.vector_load %arg13[%swap3A_123, %swap3A_124] {strides = array<i32>} : memref<128x128xf32, #tpu.memory_space<vmem>>, vector<1x16xf32>,
        %swap3A_126 = vector.shape_cast %swap3A_125 : vector<1x16xf32> to vector<16xf32>
        %swap3A_127 = vector.shape_cast %add3A_122 : vector<16xf32> to vector<1x16xf32>
        tpu.vector_store %arg13[%swap3A_123, %swap3A_124], %swap3A_127 {strides = array<i32>} : memref<128x128xf32, #tpu.memory_space<vmem>>, vector<1x16xf32>,
        %get3A_128 = arith.index_cast %add3A_73 : i32 to index
        %get3A_129 = arith.constant 64 : index
        %get3A_130 = tpu.vector_load %arg11[%get3A_128, %get3A_129] {strides = array<i32>} : memref<128x128xf32, #tpu.memory_space<vmem>>, vector<1x16xf32>,
        %get3A_131 = vector.shape_cast %get3A_130 : vector<1x16xf32> to vector<16xf32>
        %get3A_132 = arith.index_cast %add3A_73 : i32 to index
        %get3A_133 = arith.constant 64 : index
        %get3A_134 = tpu.vector_load %arg13[%get3A_132, %get3A_133] {strides = array<i32>} : memref<128x128xf32, #tpu.memory_space<vmem>>, vector<1x16xf32>,
        %get3A_135 = vector.shape_cast %get3A_134 : vector<1x16xf32> to vector<16xf32>
        %add3A_136 = arith.addf %get3A_131, %get3A_135 : vector<16xf32>
        %swap3A_137 = arith.index_cast %add3A_73 : i32 to index
        %swap3A_138 = arith.constant 64 : index
        %swap3A_139 = tpu.vector_load %arg13[%swap3A_137, %swap3A_138] {strides = array<i32>} : memref<128x128xf32, #tpu.memory_space<vmem>>, vector<1x16xf32>,
        %swap3A_140 = vector.shape_cast %swap3A_139 : vector<1x16xf32> to vector<16xf32>
        %swap3A_141 = vector.shape_cast %add3A_136 : vector<16xf32> to vector<1x16xf32>
        tpu.vector_store %arg13[%swap3A_137, %swap3A_138], %swap3A_141 {strides = array<i32>} : memref<128x128xf32, #tpu.memory_space<vmem>>, vector<1x16xf32>,
        %get3A_142 = arith.index_cast %add3A_73 : i32 to index
        %get3A_143 = arith.constant 80 : index
        %get3A_144 = tpu.vector_load %arg11[%get3A_142, %get3A_143] {strides = array<i32>} : memref<128x128xf32, #tpu.memory_space<vmem>>, vector<1x16xf32>,
        %get3A_145 = vector.shape_cast %get3A_144 : vector<1x16xf32> to vector<16xf32>
        %get3A_146 = arith.index_cast %add3A_73 : i32 to index
        %get3A_147 = arith.constant 80 : index
        %get3A_148 = tpu.vector_load %arg13[%get3A_146, %get3A_147] {strides = array<i32>} : memref<128x128xf32, #tpu.memory_space<vmem>>, vector<1x16xf32>,
        %get3A_149 = vector.shape_cast %get3A_148 : vector<1x16xf32> to vector<16xf32>
        %add3A_150 = arith.addf %get3A_145, %get3A_149 : vector<16xf32>
        %swap3A_151 = arith.index_cast %add3A_73 : i32 to index
        %swap3A_152 = arith.constant 80 : index
        %swap3A_153 = tpu.vector_load %arg13[%swap3A_151, %swap3A_152] {strides = array<i32>} : memref<128x128xf32, #tpu.memory_space<vmem>>, vector<1x16xf32>,
        %swap3A_154 = vector.shape_cast %swap3A_153 : vector<1x16xf32> to vector<16xf32>
        %swap3A_155 = vector.shape_cast %add3A_150 : vector<16xf32> to vector<1x16xf32>
        tpu.vector_store %arg13[%swap3A_151, %swap3A_152], %swap3A_155 {strides = array<i32>} : memref<128x128xf32, #tpu.memory_space<vmem>>, vector<1x16xf32>,
        %get3A_156 = arith.index_cast %add3A_73 : i32 to index
        %get3A_157 = arith.constant 96 : index
        %get3A_158 = tpu.vector_load %arg11[%get3A_156, %get3A_157] {strides = array<i32>} : memref<128x128xf32, #tpu.memory_space<vmem>>, vector<1x16xf32>,
        %get3A_159 = vector.shape_cast %get3A_158 : vector<1x16xf32> to vector<16xf32>
        %get3A_160 = arith.index_cast %add3A_73 : i32 to index
        %get3A_161 = arith.constant 96 : index
        %get3A_162 = tpu.vector_load %arg13[%get3A_160, %get3A_161] {strides = array<i32>} : memref<128x128xf32, #tpu.memory_space<vmem>>, vector<1x16xf32>,
        %get3A_163 = vector.shape_cast %get3A_162 : vector<1x16xf32> to vector<16xf32>
        %add3A_164 = arith.addf %get3A_159, %get3A_163 : vector<16xf32>
        %swap3A_165 = arith.index_cast %add3A_73 : i32 to index
        %swap3A_166 = arith.constant 96 : index
        %swap3A_167 = tpu.vector_load %arg13[%swap3A_165, %swap3A_166] {strides = array<i32>} : memref<128x128xf32, #tpu.memory_space<vmem>>, vector<1x16xf32>,
        %swap3A_168 = vector.shape_cast %swap3A_167 : vector<1x16xf32> to vector<16xf32>
        %swap3A_169 = vector.shape_cast %add3A_164 : vector<16xf32> to vector<1x16xf32>
        tpu.vector_store %arg13[%swap3A_165, %swap3A_166], %swap3A_169 {strides = array<i32>} : memref<128x128xf32, #tpu.memory_space<vmem>>, vector<1x16xf32>,
        %get3A_170 = arith.index_cast %add3A_73 : i32 to index
        %get3A_171 = arith.constant 112 : index
        %get3A_172 = tpu.vector_load %arg11[%get3A_170, %get3A_171] {strides = array<i32>} : memref<128x128xf32, #tpu.memory_space<vmem>>, vector<1x16xf32>,
        %get3A_173 = vector.shape_cast %get3A_172 : vector<1x16xf32> to vector<16xf32>
        %get3A_174 = arith.index_cast %add3A_73 : i32 to index
        %get3A_175 = arith.constant 112 : index
        %get3A_176 = tpu.vector_load %arg13[%get3A_174, %get3A_175] {strides = array<i32>} : memref<128x128xf32, #tpu.memory_space<vmem>>, vector<1x16xf32>,
        %get3A_177 = vector.shape_cast %get3A_176 : vector<1x16xf32> to vector<16xf32>
        %add3A_178 = arith.addf %get3A_173, %get3A_177 : vector<16xf32>
        %swap3A_179 = arith.index_cast %add3A_73 : i32 to index
        %swap3A_180 = arith.constant 112 : index
        %swap3A_181 = tpu.vector_load %arg13[%swap3A_179, %swap3A_180] {strides = array<i32>} : memref<128x128xf32, #tpu.memory_space<vmem>>, vector<1x16xf32>,
        %swap3A_182 = vector.shape_cast %swap3A_181 : vector<1x16xf32> to vector<16xf32>
        %swap3A_183 = vector.shape_cast %add3A_178 : vector<16xf32> to vector<1x16xf32>
        tpu.vector_store %arg13[%swap3A_179, %swap3A_180], %swap3A_183 {strides = array<i32>} : memref<128x128xf32, #tpu.memory_space<vmem>>, vector<1x16xf32>,
      }
      %scan3A_38 = arith.constant 128 : i32
      %mul3A_39 = arith.constant 128 : i32
      %mul3A_40 = arith.muli %add3A_28, %mul3A_39 : i32
      %add3A_41 = arith.addi %mul3A_2, %mul3A_40 : i32
      "tpu.region"() ({
        %run_scoped3A = tpu.sem_alloc : memref<!tpu.dma_semaphore, #tpu.memory_space<semaphore_mem>>
        %dma_start3A_69 = arith.constant 0 : i32
        %dma_start3A_70 = tpu.memref_slice %arg6[%add3A_41, %dma_start3A_69] : memref<819200x128xf32, #tpu.memory_space<hbm>> -> memref<128x128xf32, #tpu.memory_space<hbm>>
        %dma_start3A_71 = arith.constant 0 : i32
        %dma_start3A_72 = tpu.memref_slice %arg6[%add3A_41, %dma_start3A_71] : memref<819200x128xf32, #tpu.memory_space<hbm>> -> memref<128x128xf32, #tpu.memory_space<hbm>>
        tpu.enqueue_dma source(%arg13 : memref<128x128xf32, #tpu.memory_space<vmem>>) target(%dma_start3A_72 : memref<128x128xf32, #tpu.memory_space<hbm>>) target_semaphore(%run_scoped3A : memref<!tpu.dma_semaphore, #tpu.memory_space<semaphore_mem>>)
        %dma_wait3A_73 = arith.constant 0 : i32
        %dma_wait3A_74 = tpu.memref_slice %arg6[%add3A_41, %dma_wait3A_73] : memref<819200x128xf32, #tpu.memory_space<hbm>> -> memref<128x128xf32, #tpu.memory_space<hbm>>
        %dma_wait3A_75 = arith.constant 0 : i32
        %dma_wait3A_76 = tpu.memref_slice %arg6[%add3A_41, %dma_wait3A_75] : memref<819200x128xf32, #tpu.memory_space<hbm>> -> memref<128x128xf32, #tpu.memory_space<hbm>>
        tpu.wait_dma2 semaphore(%run_scoped3A : memref<!tpu.dma_semaphore, #tpu.memory_space<semaphore_mem>>) src(%arg13 : memref<128x128xf32, #tpu.memory_space<vmem>>) dst(%dma_wait3A_76 : memref<128x128xf32, #tpu.memory_space<hbm>>)
        tpu.yield
      }) : () -> ()
      %add3A_42 = arith.constant 2 : i32
      %add3A_43 = arith.addi %add3A_28, %add3A_42 : i32
      %lt3A = arith.constant 200 : i32
      %lt3A_44 = arith.cmpi slt, %add3A_43, %lt3A : i32
      %convert_element_type3A = arith.extui %lt3A_44 : i1 to i32
      %cond3A = arith.constant 0 : i32
      %cond3A_45 = arith.cmpi ne, %convert_element_type3A, %cond3A : i32
      scf.if %cond3A_45 {
        %add3A_69 = arith.constant 2 : i32
        %add3A_70 = arith.addi %add3A_28, %add3A_69 : i32
        %mul3A_71 = arith.constant 128 : i32
        %mul3A_72 = arith.muli %add3A_70, %mul3A_71 : i32
        %add3A_73 = arith.addi %mul3A_2, %mul3A_72 : i32
        "tpu.region"() ({
          %run_scoped3A = tpu.sem_alloc : memref<!tpu.dma_semaphore, #tpu.memory_space<semaphore_mem>>
          %dma_start3A_80 = tpu.memref_slice %arg2[%add3A_73] : memref<819200xi32, #tpu.memory_space<hbm>> -> memref<128xi32, #tpu.memory_space<hbm>>
          %dma_start3A_81 = tpu.memref_slice %arg2[%add3A_73] : memref<819200xi32, #tpu.memory_space<hbm>> -> memref<128xi32, #tpu.memory_space<hbm>>
          tpu.enqueue_dma source(%dma_start3A_81 : memref<128xi32, #tpu.memory_space<hbm>>) target(%arg7 : memref<128xi32, #tpu.memory_space<vmem>>) target_semaphore(%run_scoped3A : memref<!tpu.dma_semaphore, #tpu.memory_space<semaphore_mem>>)
          %dma_wait3A_82 = tpu.memref_slice %arg2[%add3A_73] : memref<819200xi32, #tpu.memory_space<hbm>> -> memref<128xi32, #tpu.memory_space<hbm>>
          %dma_wait3A_83 = tpu.memref_slice %arg2[%add3A_73] : memref<819200xi32, #tpu.memory_space<hbm>> -> memref<128xi32, #tpu.memory_space<hbm>>
          tpu.wait_dma2 semaphore(%run_scoped3A : memref<!tpu.dma_semaphore, #tpu.memory_space<semaphore_mem>>) src(%dma_wait3A_83 : memref<128xi32, #tpu.memory_space<hbm>>) dst(%arg7 : memref<128xi32, #tpu.memory_space<vmem>>)
          tpu.yield
        }) : () -> ()
        "tpu.region"() ({
          %run_scoped3A = tpu.sem_alloc : memref<!tpu.dma_semaphore, #tpu.memory_space<semaphore_mem>>
          %dma_start3A_80 = tpu.memref_slice %arg3[%add3A_73] : memref<819200xi32, #tpu.memory_space<hbm>> -> memref<128xi32, #tpu.memory_space<hbm>>
          %dma_start3A_81 = tpu.memref_slice %arg3[%add3A_73] : memref<819200xi32, #tpu.memory_space<hbm>> -> memref<128xi32, #tpu.memory_space<hbm>>
          tpu.enqueue_dma source(%dma_start3A_81 : memref<128xi32, #tpu.memory_space<hbm>>) target(%arg9 : memref<128xi32, #tpu.memory_space<vmem>>) target_semaphore(%run_scoped3A : memref<!tpu.dma_semaphore, #tpu.memory_space<semaphore_mem>>)
          %dma_wait3A_82 = tpu.memref_slice %arg3[%add3A_73] : memref<819200xi32, #tpu.memory_space<hbm>> -> memref<128xi32, #tpu.memory_space<hbm>>
          %dma_wait3A_83 = tpu.memref_slice %arg3[%add3A_73] : memref<819200xi32, #tpu.memory_space<hbm>> -> memref<128xi32, #tpu.memory_space<hbm>>
          tpu.wait_dma2 semaphore(%run_scoped3A : memref<!tpu.dma_semaphore, #tpu.memory_space<semaphore_mem>>) src(%dma_wait3A_83 : memref<128xi32, #tpu.memory_space<hbm>>) dst(%arg9 : memref<128xi32, #tpu.memory_space<vmem>>)
          tpu.yield
        }) : () -> ()
        %dma_start3A_74 = arith.constant 0 : i32
        %dma_start3A_75 = arith.constant 0 : i32
        %dma_start3A_76 = tpu.memref_slice %arg4[%dma_start3A_74, %dma_start3A_75] : memref<1000x128xf32, #tpu.memory_space<hbm>> -> memref<1000x128xf32, #tpu.memory_space<hbm>>
        tpu.enqueue_indirect_dma source(%dma_start3A_76 : memref<1000x128xf32, #tpu.memory_space<hbm>>) target(%arg11 : memref<128x128xf32, #tpu.memory_space<vmem>>) offsets(%arg7 : memref<128xi32, #tpu.memory_space<vmem>>) semaphore(%arg15 : memref<!tpu.dma_semaphore, #tpu.memory_space<semaphore_mem>>)
        %dma_start3A_77 = arith.constant 0 : i32
        %dma_start3A_78 = arith.constant 0 : i32
        %dma_start3A_79 = tpu.memref_slice %arg5[%dma_start3A_77, %dma_start3A_78] : memref<100000x128xf32, #tpu.memory_space<hbm>> -> memref<100000x128xf32, #tpu.memory_space<hbm>>
        tpu.enqueue_indirect_dma source(%dma_start3A_79 : memref<100000x128xf32, #tpu.memory_space<hbm>>) target(%arg13 : memref<128x128xf32, #tpu.memory_space<vmem>>) offsets(%arg9 : memref<128xi32, #tpu.memory_space<vmem>>) semaphore(%arg17 : memref<!tpu.dma_semaphore, #tpu.memory_space<semaphore_mem>>)
      } else {
      }
      %add3A_46 = arith.constant 1 : i32
      %add3A_47 = arith.addi %add3A_26, %add3A_46 : i32
      %dma_wait3A_48 = arith.constant 0 : i32
      %dma_wait3A_49 = arith.constant 0 : i32
      %dma_wait3A_50 = tpu.memref_slice %arg4[%dma_wait3A_48, %dma_wait3A_49] : memref<1000x128xf32, #tpu.memory_space<hbm>> -> memref<1000x128xf32, #tpu.memory_space<hbm>>
      tpu.wait_indirect_dma semaphore(%arg16 : memref<!tpu.dma_semaphore, #tpu.memory_space<semaphore_mem>>) src(%dma_wait3A_50 : memref<1000x128xf32, #tpu.memory_space<hbm>>) dst(%arg12 : memref<128x128xf32, #tpu.memory_space<vmem>>)
      %dma_wait3A_51 = arith.constant 0 : i32
      %dma_wait3A_52 = arith.constant 0 : i32
      %dma_wait3A_53 = tpu.memref_slice %arg5[%dma_wait3A_51, %dma_wait3A_52] : memref<100000x128xf32, #tpu.memory_space<hbm>> -> memref<100000x128xf32, #tpu.memory_space<hbm>>
      tpu.wait_indirect_dma semaphore(%arg18 : memref<!tpu.dma_semaphore, #tpu.memory_space<semaphore_mem>>) src(%dma_wait3A_53 : memref<100000x128xf32, #tpu.memory_space<hbm>>) dst(%arg14 : memref<128x128xf32, #tpu.memory_space<vmem>>)
      %scan3A_54 = arith.constant 0 : i32
      %scan3A_55 = arith.constant 128 : i32
      %scan3A_56 = arith.addi %scan3A_54, %scan3A_55 : i32
      %scan3A_57 = arith.constant 1 : i32
      scf.for %scan3A_69 = %scan3A_54 to %scan3A_56 step %scan3A_57  : i32 {
        %mul3A_70 = arith.constant 1 : i32
        %mul3A_71 = arith.muli %scan3A_69, %mul3A_70 : i32
        %add3A_72 = arith.constant 0 : i32
        %add3A_73 = arith.addi %add3A_72, %mul3A_71 : i32
        %get3A = arith.index_cast %add3A_73 : i32 to index
        %get3A_74 = arith.constant 0 : index
        %get3A_75 = tpu.vector_load %arg12[%get3A, %get3A_74] {strides = array<i32>} : memref<128x128xf32, #tpu.memory_space<vmem>>, vector<1x16xf32>,
        %get3A_76 = vector.shape_cast %get3A_75 : vector<1x16xf32> to vector<16xf32>
        %get3A_77 = arith.index_cast %add3A_73 : i32 to index
        %get3A_78 = arith.constant 0 : index
        %get3A_79 = tpu.vector_load %arg14[%get3A_77, %get3A_78] {strides = array<i32>} : memref<128x128xf32, #tpu.memory_space<vmem>>, vector<1x16xf32>,
        %get3A_80 = vector.shape_cast %get3A_79 : vector<1x16xf32> to vector<16xf32>
        %add3A_81 = arith.addf %get3A_76, %get3A_80 : vector<16xf32>
        %swap3A = arith.index_cast %add3A_73 : i32 to index
        %swap3A_82 = arith.constant 0 : index
        %swap3A_83 = tpu.vector_load %arg14[%swap3A, %swap3A_82] {strides = array<i32>} : memref<128x128xf32, #tpu.memory_space<vmem>>, vector<1x16xf32>,
        %swap3A_84 = vector.shape_cast %swap3A_83 : vector<1x16xf32> to vector<16xf32>
        %swap3A_85 = vector.shape_cast %add3A_81 : vector<16xf32> to vector<1x16xf32>
        tpu.vector_store %arg14[%swap3A, %swap3A_82], %swap3A_85 {strides = array<i32>} : memref<128x128xf32, #tpu.memory_space<vmem>>, vector<1x16xf32>,
        %get3A_86 = arith.index_cast %add3A_73 : i32 to index
        %get3A_87 = arith.constant 16 : index
        %get3A_88 = tpu.vector_load %arg12[%get3A_86, %get3A_87] {strides = array<i32>} : memref<128x128xf32, #tpu.memory_space<vmem>>, vector<1x16xf32>,
        %get3A_89 = vector.shape_cast %get3A_88 : vector<1x16xf32> to vector<16xf32>
        %get3A_90 = arith.index_cast %add3A_73 : i32 to index
        %get3A_91 = arith.constant 16 : index
        %get3A_92 = tpu.vector_load %arg14[%get3A_90, %get3A_91] {strides = array<i32>} : memref<128x128xf32, #tpu.memory_space<vmem>>, vector<1x16xf32>,
        %get3A_93 = vector.shape_cast %get3A_92 : vector<1x16xf32> to vector<16xf32>
        %add3A_94 = arith.addf %get3A_89, %get3A_93 : vector<16xf32>
        %swap3A_95 = arith.index_cast %add3A_73 : i32 to index
        %swap3A_96 = arith.constant 16 : index
        %swap3A_97 = tpu.vector_load %arg14[%swap3A_95, %swap3A_96] {strides = array<i32>} : memref<128x128xf32, #tpu.memory_space<vmem>>, vector<1x16xf32>,
        %swap3A_98 = vector.shape_cast %swap3A_97 : vector<1x16xf32> to vector<16xf32>
        %swap3A_99 = vector.shape_cast %add3A_94 : vector<16xf32> to vector<1x16xf32>
        tpu.vector_store %arg14[%swap3A_95, %swap3A_96], %swap3A_99 {strides = array<i32>} : memref<128x128xf32, #tpu.memory_space<vmem>>, vector<1x16xf32>,
        %get3A_100 = arith.index_cast %add3A_73 : i32 to index
        %get3A_101 = arith.constant 32 : index
        %get3A_102 = tpu.vector_load %arg12[%get3A_100, %get3A_101] {strides = array<i32>} : memref<128x128xf32, #tpu.memory_space<vmem>>, vector<1x16xf32>,
        %get3A_103 = vector.shape_cast %get3A_102 : vector<1x16xf32> to vector<16xf32>
        %get3A_104 = arith.index_cast %add3A_73 : i32 to index
        %get3A_105 = arith.constant 32 : index
        %get3A_106 = tpu.vector_load %arg14[%get3A_104, %get3A_105] {strides = array<i32>} : memref<128x128xf32, #tpu.memory_space<vmem>>, vector<1x16xf32>,
        %get3A_107 = vector.shape_cast %get3A_106 : vector<1x16xf32> to vector<16xf32>
        %add3A_108 = arith.addf %get3A_103, %get3A_107 : vector<16xf32>
        %swap3A_109 = arith.index_cast %add3A_73 : i32 to index
        %swap3A_110 = arith.constant 32 : index
        %swap3A_111 = tpu.vector_load %arg14[%swap3A_109, %swap3A_110] {strides = array<i32>} : memref<128x128xf32, #tpu.memory_space<vmem>>, vector<1x16xf32>,
        %swap3A_112 = vector.shape_cast %swap3A_111 : vector<1x16xf32> to vector<16xf32>
        %swap3A_113 = vector.shape_cast %add3A_108 : vector<16xf32> to vector<1x16xf32>
        tpu.vector_store %arg14[%swap3A_109, %swap3A_110], %swap3A_113 {strides = array<i32>} : memref<128x128xf32, #tpu.memory_space<vmem>>, vector<1x16xf32>,
        %get3A_114 = arith.index_cast %add3A_73 : i32 to index
        %get3A_115 = arith.constant 48 : index
        %get3A_116 = tpu.vector_load %arg12[%get3A_114, %get3A_115] {strides = array<i32>} : memref<128x128xf32, #tpu.memory_space<vmem>>, vector<1x16xf32>,
        %get3A_117 = vector.shape_cast %get3A_116 : vector<1x16xf32> to vector<16xf32>
        %get3A_118 = arith.index_cast %add3A_73 : i32 to index
        %get3A_119 = arith.constant 48 : index
        %get3A_120 = tpu.vector_load %arg14[%get3A_118, %get3A_119] {strides = array<i32>} : memref<128x128xf32, #tpu.memory_space<vmem>>, vector<1x16xf32>,
        %get3A_121 = vector.shape_cast %get3A_120 : vector<1x16xf32> to vector<16xf32>
        %add3A_122 = arith.addf %get3A_117, %get3A_121 : vector<16xf32>
        %swap3A_123 = arith.index_cast %add3A_73 : i32 to index
        %swap3A_124 = arith.constant 48 : index
        %swap3A_125 = tpu.vector_load %arg14[%swap3A_123, %swap3A_124] {strides = array<i32>} : memref<128x128xf32, #tpu.memory_space<vmem>>, vector<1x16xf32>,
        %swap3A_126 = vector.shape_cast %swap3A_125 : vector<1x16xf32> to vector<16xf32>
        %swap3A_127 = vector.shape_cast %add3A_122 : vector<16xf32> to vector<1x16xf32>
        tpu.vector_store %arg14[%swap3A_123, %swap3A_124], %swap3A_127 {strides = array<i32>} : memref<128x128xf32, #tpu.memory_space<vmem>>, vector<1x16xf32>,
        %get3A_128 = arith.index_cast %add3A_73 : i32 to index
        %get3A_129 = arith.constant 64 : index
        %get3A_130 = tpu.vector_load %arg12[%get3A_128, %get3A_129] {strides = array<i32>} : memref<128x128xf32, #tpu.memory_space<vmem>>, vector<1x16xf32>,
        %get3A_131 = vector.shape_cast %get3A_130 : vector<1x16xf32> to vector<16xf32>
        %get3A_132 = arith.index_cast %add3A_73 : i32 to index
        %get3A_133 = arith.constant 64 : index
        %get3A_134 = tpu.vector_load %arg14[%get3A_132, %get3A_133] {strides = array<i32>} : memref<128x128xf32, #tpu.memory_space<vmem>>, vector<1x16xf32>,
        %get3A_135 = vector.shape_cast %get3A_134 : vector<1x16xf32> to vector<16xf32>
        %add3A_136 = arith.addf %get3A_131, %get3A_135 : vector<16xf32>
        %swap3A_137 = arith.index_cast %add3A_73 : i32 to index
        %swap3A_138 = arith.constant 64 : index
        %swap3A_139 = tpu.vector_load %arg14[%swap3A_137, %swap3A_138] {strides = array<i32>} : memref<128x128xf32, #tpu.memory_space<vmem>>, vector<1x16xf32>,
        %swap3A_140 = vector.shape_cast %swap3A_139 : vector<1x16xf32> to vector<16xf32>
        %swap3A_141 = vector.shape_cast %add3A_136 : vector<16xf32> to vector<1x16xf32>
        tpu.vector_store %arg14[%swap3A_137, %swap3A_138], %swap3A_141 {strides = array<i32>} : memref<128x128xf32, #tpu.memory_space<vmem>>, vector<1x16xf32>,
        %get3A_142 = arith.index_cast %add3A_73 : i32 to index
        %get3A_143 = arith.constant 80 : index
        %get3A_144 = tpu.vector_load %arg12[%get3A_142, %get3A_143] {strides = array<i32>} : memref<128x128xf32, #tpu.memory_space<vmem>>, vector<1x16xf32>,
        %get3A_145 = vector.shape_cast %get3A_144 : vector<1x16xf32> to vector<16xf32>
        %get3A_146 = arith.index_cast %add3A_73 : i32 to index
        %get3A_147 = arith.constant 80 : index
        %get3A_148 = tpu.vector_load %arg14[%get3A_146, %get3A_147] {strides = array<i32>} : memref<128x128xf32, #tpu.memory_space<vmem>>, vector<1x16xf32>,
        %get3A_149 = vector.shape_cast %get3A_148 : vector<1x16xf32> to vector<16xf32>
        %add3A_150 = arith.addf %get3A_145, %get3A_149 : vector<16xf32>
        %swap3A_151 = arith.index_cast %add3A_73 : i32 to index
        %swap3A_152 = arith.constant 80 : index
        %swap3A_153 = tpu.vector_load %arg14[%swap3A_151, %swap3A_152] {strides = array<i32>} : memref<128x128xf32, #tpu.memory_space<vmem>>, vector<1x16xf32>,
        %swap3A_154 = vector.shape_cast %swap3A_153 : vector<1x16xf32> to vector<16xf32>
        %swap3A_155 = vector.shape_cast %add3A_150 : vector<16xf32> to vector<1x16xf32>
        tpu.vector_store %arg14[%swap3A_151, %swap3A_152], %swap3A_155 {strides = array<i32>} : memref<128x128xf32, #tpu.memory_space<vmem>>, vector<1x16xf32>,
        %get3A_156 = arith.index_cast %add3A_73 : i32 to index
        %get3A_157 = arith.constant 96 : index
        %get3A_158 = tpu.vector_load %arg12[%get3A_156, %get3A_157] {strides = array<i32>} : memref<128x128xf32, #tpu.memory_space<vmem>>, vector<1x16xf32>,
        %get3A_159 = vector.shape_cast %get3A_158 : vector<1x16xf32> to vector<16xf32>
        %get3A_160 = arith.index_cast %add3A_73 : i32 to index
        %get3A_161 = arith.constant 96 : index
        %get3A_162 = tpu.vector_load %arg14[%get3A_160, %get3A_161] {strides = array<i32>} : memref<128x128xf32, #tpu.memory_space<vmem>>, vector<1x16xf32>,
        %get3A_163 = vector.shape_cast %get3A_162 : vector<1x16xf32> to vector<16xf32>
        %add3A_164 = arith.addf %get3A_159, %get3A_163 : vector<16xf32>
        %swap3A_165 = arith.index_cast %add3A_73 : i32 to index
        %swap3A_166 = arith.constant 96 : index
        %swap3A_167 = tpu.vector_load %arg14[%swap3A_165, %swap3A_166] {strides = array<i32>} : memref<128x128xf32, #tpu.memory_space<vmem>>, vector<1x16xf32>,
        %swap3A_168 = vector.shape_cast %swap3A_167 : vector<1x16xf32> to vector<16xf32>
        %swap3A_169 = vector.shape_cast %add3A_164 : vector<16xf32> to vector<1x16xf32>
        tpu.vector_store %arg14[%swap3A_165, %swap3A_166], %swap3A_169 {strides = array<i32>} : memref<128x128xf32, #tpu.memory_space<vmem>>, vector<1x16xf32>,
        %get3A_170 = arith.index_cast %add3A_73 : i32 to index
        %get3A_171 = arith.constant 112 : index
        %get3A_172 = tpu.vector_load %arg12[%get3A_170, %get3A_171] {strides = array<i32>} : memref<128x128xf32, #tpu.memory_space<vmem>>, vector<1x16xf32>,
        %get3A_173 = vector.shape_cast %get3A_172 : vector<1x16xf32> to vector<16xf32>
        %get3A_174 = arith.index_cast %add3A_73 : i32 to index
        %get3A_175 = arith.constant 112 : index
        %get3A_176 = tpu.vector_load %arg14[%get3A_174, %get3A_175] {strides = array<i32>} : memref<128x128xf32, #tpu.memory_space<vmem>>, vector<1x16xf32>,
        %get3A_177 = vector.shape_cast %get3A_176 : vector<1x16xf32> to vector<16xf32>
        %add3A_178 = arith.addf %get3A_173, %get3A_177 : vector<16xf32>
        %swap3A_179 = arith.index_cast %add3A_73 : i32 to index
        %swap3A_180 = arith.constant 112 : index
        %swap3A_181 = tpu.vector_load %arg14[%swap3A_179, %swap3A_180] {strides = array<i32>} : memref<128x128xf32, #tpu.memory_space<vmem>>, vector<1x16xf32>,
        %swap3A_182 = vector.shape_cast %swap3A_181 : vector<1x16xf32> to vector<16xf32>
        %swap3A_183 = vector.shape_cast %add3A_178 : vector<16xf32> to vector<1x16xf32>
        tpu.vector_store %arg14[%swap3A_179, %swap3A_180], %swap3A_183 {strides = array<i32>} : memref<128x128xf32, #tpu.memory_space<vmem>>, vector<1x16xf32>,
      }
      %scan3A_58 = arith.constant 128 : i32
      %mul3A_59 = arith.constant 128 : i32
      %mul3A_60 = arith.muli %add3A_47, %mul3A_59 : i32
      %add3A_61 = arith.addi %mul3A_2, %mul3A_60 : i32
      "tpu.region"() ({
        %run_scoped3A = tpu.sem_alloc : memref<!tpu.dma_semaphore, #tpu.memory_space<semaphore_mem>>
        %dma_start3A_69 = arith.constant 0 : i32
        %dma_start3A_70 = tpu.memref_slice %arg6[%add3A_61, %dma_start3A_69] : memref<819200x128xf32, #tpu.memory_space<hbm>> -> memref<128x128xf32, #tpu.memory_space<hbm>>
        %dma_start3A_71 = arith.constant 0 : i32
        %dma_start3A_72 = tpu.memref_slice %arg6[%add3A_61, %dma_start3A_71] : memref<819200x128xf32, #tpu.memory_space<hbm>> -> memref<128x128xf32, #tpu.memory_space<hbm>>
        tpu.enqueue_dma source(%arg14 : memref<128x128xf32, #tpu.memory_space<vmem>>) target(%dma_start3A_72 : memref<128x128xf32, #tpu.memory_space<hbm>>) target_semaphore(%run_scoped3A : memref<!tpu.dma_semaphore, #tpu.memory_space<semaphore_mem>>)
        %dma_wait3A_73 = arith.constant 0 : i32
        %dma_wait3A_74 = tpu.memref_slice %arg6[%add3A_61, %dma_wait3A_73] : memref<819200x128xf32, #tpu.memory_space<hbm>> -> memref<128x128xf32, #tpu.memory_space<hbm>>
        %dma_wait3A_75 = arith.constant 0 : i32
        %dma_wait3A_76 = tpu.memref_slice %arg6[%add3A_61, %dma_wait3A_75] : memref<819200x128xf32, #tpu.memory_space<hbm>> -> memref<128x128xf32, #tpu.memory_space<hbm>>
        tpu.wait_dma2 semaphore(%run_scoped3A : memref<!tpu.dma_semaphore, #tpu.memory_space<semaphore_mem>>) src(%arg14 : memref<128x128xf32, #tpu.memory_space<vmem>>) dst(%dma_wait3A_76 : memref<128x128xf32, #tpu.memory_space<hbm>>)
        tpu.yield
      }) : () -> ()
      %add3A_62 = arith.constant 2 : i32
      %add3A_63 = arith.addi %add3A_47, %add3A_62 : i32
      %lt3A_64 = arith.constant 200 : i32
      %lt3A_65 = arith.cmpi slt, %add3A_63, %lt3A_64 : i32
      %convert_element_type3A_66 = arith.extui %lt3A_65 : i1 to i32
      %cond3A_67 = arith.constant 0 : i32
      %cond3A_68 = arith.cmpi ne, %convert_element_type3A_66, %cond3A_67 : i32
      scf.if %cond3A_68 {
        %add3A_69 = arith.constant 2 : i32
        %add3A_70 = arith.addi %add3A_47, %add3A_69 : i32
        %mul3A_71 = arith.constant 128 : i32
        %mul3A_72 = arith.muli %add3A_70, %mul3A_71 : i32
        %add3A_73 = arith.addi %mul3A_2, %mul3A_72 : i32
        "tpu.region"() ({
          %run_scoped3A = tpu.sem_alloc : memref<!tpu.dma_semaphore, #tpu.memory_space<semaphore_mem>>
          %dma_start3A_80 = tpu.memref_slice %arg2[%add3A_73] : memref<819200xi32, #tpu.memory_space<hbm>> -> memref<128xi32, #tpu.memory_space<hbm>>
          %dma_start3A_81 = tpu.memref_slice %arg2[%add3A_73] : memref<819200xi32, #tpu.memory_space<hbm>> -> memref<128xi32, #tpu.memory_space<hbm>>
          tpu.enqueue_dma source(%dma_start3A_81 : memref<128xi32, #tpu.memory_space<hbm>>) target(%arg8 : memref<128xi32, #tpu.memory_space<vmem>>) target_semaphore(%run_scoped3A : memref<!tpu.dma_semaphore, #tpu.memory_space<semaphore_mem>>)
          %dma_wait3A_82 = tpu.memref_slice %arg2[%add3A_73] : memref<819200xi32, #tpu.memory_space<hbm>> -> memref<128xi32, #tpu.memory_space<hbm>>
          %dma_wait3A_83 = tpu.memref_slice %arg2[%add3A_73] : memref<819200xi32, #tpu.memory_space<hbm>> -> memref<128xi32, #tpu.memory_space<hbm>>
          tpu.wait_dma2 semaphore(%run_scoped3A : memref<!tpu.dma_semaphore, #tpu.memory_space<semaphore_mem>>) src(%dma_wait3A_83 : memref<128xi32, #tpu.memory_space<hbm>>) dst(%arg8 : memref<128xi32, #tpu.memory_space<vmem>>)
          tpu.yield
        }) : () -> ()
        "tpu.region"() ({
          %run_scoped3A = tpu.sem_alloc : memref<!tpu.dma_semaphore, #tpu.memory_space<semaphore_mem>>
          %dma_start3A_80 = tpu.memref_slice %arg3[%add3A_73] : memref<819200xi32, #tpu.memory_space<hbm>> -> memref<128xi32, #tpu.memory_space<hbm>>
          %dma_start3A_81 = tpu.memref_slice %arg3[%add3A_73] : memref<819200xi32, #tpu.memory_space<hbm>> -> memref<128xi32, #tpu.memory_space<hbm>>
          tpu.enqueue_dma source(%dma_start3A_81 : memref<128xi32, #tpu.memory_space<hbm>>) target(%arg10 : memref<128xi32, #tpu.memory_space<vmem>>) target_semaphore(%run_scoped3A : memref<!tpu.dma_semaphore, #tpu.memory_space<semaphore_mem>>)
          %dma_wait3A_82 = tpu.memref_slice %arg3[%add3A_73] : memref<819200xi32, #tpu.memory_space<hbm>> -> memref<128xi32, #tpu.memory_space<hbm>>
          %dma_wait3A_83 = tpu.memref_slice %arg3[%add3A_73] : memref<819200xi32, #tpu.memory_space<hbm>> -> memref<128xi32, #tpu.memory_space<hbm>>
          tpu.wait_dma2 semaphore(%run_scoped3A : memref<!tpu.dma_semaphore, #tpu.memory_space<semaphore_mem>>) src(%dma_wait3A_83 : memref<128xi32, #tpu.memory_space<hbm>>) dst(%arg10 : memref<128xi32, #tpu.memory_space<vmem>>)
          tpu.yield
        }) : () -> ()
        %dma_start3A_74 = arith.constant 0 : i32
        %dma_start3A_75 = arith.constant 0 : i32
        %dma_start3A_76 = tpu.memref_slice %arg4[%dma_start3A_74, %dma_start3A_75] : memref<1000x128xf32, #tpu.memory_space<hbm>> -> memref<1000x128xf32, #tpu.memory_space<hbm>>
        tpu.enqueue_indirect_dma source(%dma_start3A_76 : memref<1000x128xf32, #tpu.memory_space<hbm>>) target(%arg12 : memref<128x128xf32, #tpu.memory_space<vmem>>) offsets(%arg8 : memref<128xi32, #tpu.memory_space<vmem>>) semaphore(%arg16 : memref<!tpu.dma_semaphore, #tpu.memory_space<semaphore_mem>>)
        %dma_start3A_77 = arith.constant 0 : i32
        %dma_start3A_78 = arith.constant 0 : i32
        %dma_start3A_79 = tpu.memref_slice %arg5[%dma_start3A_77, %dma_start3A_78] : memref<100000x128xf32, #tpu.memory_space<hbm>> -> memref<100000x128xf32, #tpu.memory_space<hbm>>
        tpu.enqueue_indirect_dma source(%dma_start3A_79 : memref<100000x128xf32, #tpu.memory_space<hbm>>) target(%arg14 : memref<128x128xf32, #tpu.memory_space<vmem>>) offsets(%arg10 : memref<128xi32, #tpu.memory_space<vmem>>) semaphore(%arg18 : memref<!tpu.dma_semaphore, #tpu.memory_space<semaphore_mem>>)
      } else {
      }
    }
    %scan3A_21 = arith.constant 100 : i32
    return
  }
}

module attributes {stable_mosaic.version = 14 : i64} {
  func.func @_mm_bias_kernel(%arg0: i32, %arg1: memref<2000x128xf32, #tpu.memory_space<vmem>>, %arg2: memref<128x128xf32, #tpu.memory_space<vmem>>, %arg3: memref<1x128xf32, #tpu.memory_space<vmem>>, %arg4: memref<2000x128xf32, #tpu.memory_space<vmem>>) attributes {dimension_semantics = [#tpu.dimension_semantics<arbitrary>], iteration_bounds = array<i64: 50>, scalar_prefetch = 0 : i64, scratch_operands = 0 : i64, tpu.core_type = #tpu.core_type<tc>, window_params = [{transform_indices = @transform_0, window_bounds = array<i64: 2000, 128>}, {pipeline_mode = #tpu.pipeline_mode<synchronous>, transform_indices = @transform_1, window_bounds = array<i64: 128, 128>}, {pipeline_mode = #tpu.pipeline_mode<synchronous>, transform_indices = @transform_2, window_bounds = array<i64: 1, 128>}, {transform_indices = @transform_3, window_bounds = array<i64: 2000, 128>}]} {
    %get3A = arith.constant 0 : index
    %get3A_0 = arith.constant 0 : index
    %get3A_1 = vector.load %arg1[%get3A, %get3A_0] : memref<2000x128xf32, #tpu.memory_space<vmem>>, vector<2000x128xf32>
    %get3A_2 = arith.constant 0 : index
    %get3A_3 = arith.constant 0 : index
    %get3A_4 = vector.load %arg2[%get3A_2, %get3A_3] : memref<128x128xf32, #tpu.memory_space<vmem>>, vector<128x128xf32>
    %dot_general3A = arith.constant dense<0.000000e+00> : vector<2000x128xf32>
    %dot_general3A_5 = tpu.matmul %get3A_1, %get3A_4, %dot_general3A {dimension_numbers = #tpu.dot_dimension_numbers<[1], [0], [0], [1], [0, 0, 1, 1], [], []>, transpose_lhs_hint = false} : vector<2000x128xf32>, vector<128x128xf32>, vector<2000x128xf32> -> vector<2000x128xf32>
    %get3A_6 = arith.constant 0 : index
    %get3A_7 = arith.constant 0 : index
    %get3A_8 = vector.load %arg3[%get3A_6, %get3A_7] : memref<1x128xf32, #tpu.memory_space<vmem>>, vector<1x128xf32>
    %add3A = vector.broadcast %get3A_8 : vector<1x128xf32> to vector<2000x128xf32>
    %add3A_9 = arith.addf %dot_general3A_5, %add3A : vector<2000x128xf32>
    %swap3A = arith.constant 0 : index
    %swap3A_10 = arith.constant 0 : index
    %swap3A_11 = vector.load %arg4[%swap3A, %swap3A_10] : memref<2000x128xf32, #tpu.memory_space<vmem>>, vector<2000x128xf32>
    tpu.vector_store %arg4[%swap3A, %swap3A_10], %add3A_9 {strides = array<i32>} : memref<2000x128xf32, #tpu.memory_space<vmem>>, vector<2000x128xf32>,
    return
  }
  func.func @transform_0(%arg0: i32) -> (i32, i32) {
    %c0_i32 = arith.constant 0 : i32
    %c0_i32_0 = arith.constant 0 : i32
    return %arg0, %c0_i32 : i32, i32
  }
  func.func @transform_1(%arg0: i32) -> (i32, i32) {
    %c0_i32 = arith.constant 0 : i32
    %c0_i32_0 = arith.constant 0 : i32
    %c0_i32_1 = arith.constant 0 : i32
    return %c0_i32, %c0_i32_0 : i32, i32
  }
  func.func @transform_2(%arg0: i32) -> (i32, i32) {
    %c0_i32 = arith.constant 0 : i32
    %c0_i32_0 = arith.constant 0 : i32
    %c0_i32_1 = arith.constant 0 : i32
    return %c0_i32, %c0_i32_0 : i32, i32
  }
  func.func @transform_3(%arg0: i32) -> (i32, i32) {
    %c0_i32 = arith.constant 0 : i32
    %c0_i32_0 = arith.constant 0 : i32
    return %arg0, %c0_i32 : i32, i32
  }
}

module attributes {stable_mosaic.version = 14 : i64} {
  func.func @_mm_bias_kernel(%arg0: i32, %arg1: memref<1000x128xf32, #tpu.memory_space<vmem>>, %arg2: memref<128x128xf32, #tpu.memory_space<vmem>>, %arg3: memref<1x128xf32, #tpu.memory_space<vmem>>, %arg4: memref<1000x128xf32, #tpu.memory_space<vmem>>) attributes {dimension_semantics = [#tpu.dimension_semantics<arbitrary>], iteration_bounds = array<i64: 1>, scalar_prefetch = 0 : i64, scratch_operands = 0 : i64, tpu.core_type = #tpu.core_type<tc>, window_params = [{transform_indices = @transform_0, window_bounds = array<i64: 1000, 128>}, {pipeline_mode = #tpu.pipeline_mode<synchronous>, transform_indices = @transform_1, window_bounds = array<i64: 128, 128>}, {pipeline_mode = #tpu.pipeline_mode<synchronous>, transform_indices = @transform_2, window_bounds = array<i64: 1, 128>}, {transform_indices = @transform_3, window_bounds = array<i64: 1000, 128>}]} {
    %get3A = arith.constant 0 : index
    %get3A_0 = arith.constant 0 : index
    %get3A_1 = vector.load %arg1[%get3A, %get3A_0] : memref<1000x128xf32, #tpu.memory_space<vmem>>, vector<1000x128xf32>
    %get3A_2 = arith.constant 0 : index
    %get3A_3 = arith.constant 0 : index
    %get3A_4 = vector.load %arg2[%get3A_2, %get3A_3] : memref<128x128xf32, #tpu.memory_space<vmem>>, vector<128x128xf32>
    %dot_general3A = arith.constant dense<0.000000e+00> : vector<1000x128xf32>
    %dot_general3A_5 = tpu.matmul %get3A_1, %get3A_4, %dot_general3A {dimension_numbers = #tpu.dot_dimension_numbers<[1], [0], [0], [1], [0, 0, 1, 1], [], []>, transpose_lhs_hint = false} : vector<1000x128xf32>, vector<128x128xf32>, vector<1000x128xf32> -> vector<1000x128xf32>
    %get3A_6 = arith.constant 0 : index
    %get3A_7 = arith.constant 0 : index
    %get3A_8 = vector.load %arg3[%get3A_6, %get3A_7] : memref<1x128xf32, #tpu.memory_space<vmem>>, vector<1x128xf32>
    %add3A = vector.broadcast %get3A_8 : vector<1x128xf32> to vector<1000x128xf32>
    %add3A_9 = arith.addf %dot_general3A_5, %add3A : vector<1000x128xf32>
    %swap3A = arith.constant 0 : index
    %swap3A_10 = arith.constant 0 : index
    %swap3A_11 = vector.load %arg4[%swap3A, %swap3A_10] : memref<1000x128xf32, #tpu.memory_space<vmem>>, vector<1000x128xf32>
    tpu.vector_store %arg4[%swap3A, %swap3A_10], %add3A_9 {strides = array<i32>} : memref<1000x128xf32, #tpu.memory_space<vmem>>, vector<1000x128xf32>,
    return
  }
  func.func @transform_0(%arg0: i32) -> (i32, i32) {
    %c0_i32 = arith.constant 0 : i32
    %c0_i32_0 = arith.constant 0 : i32
    return %arg0, %c0_i32 : i32, i32
  }
  func.func @transform_1(%arg0: i32) -> (i32, i32) {
    %c0_i32 = arith.constant 0 : i32
    %c0_i32_0 = arith.constant 0 : i32
    %c0_i32_1 = arith.constant 0 : i32
    return %c0_i32, %c0_i32_0 : i32, i32
  }
  func.func @transform_2(%arg0: i32) -> (i32, i32) {
    %c0_i32 = arith.constant 0 : i32
    %c0_i32_0 = arith.constant 0 : i32
    %c0_i32_1 = arith.constant 0 : i32
    return %c0_i32, %c0_i32_0 : i32, i32
  }
  func.func @transform_3(%arg0: i32) -> (i32, i32) {
    %c0_i32 = arith.constant 0 : i32
    %c0_i32_0 = arith.constant 0 : i32
    return %arg0, %c0_i32 : i32, i32
  }
}

module attributes {stable_mosaic.version = 14 : i64} {
  func.func @_relu_mm3d_kernel(%arg0: i32, %arg1: i32, %arg2: memref<2048x128xf32, #tpu.memory_space<vmem>>, %arg3: memref<128x128xf32, #tpu.memory_space<vmem>>, %arg4: memref<1x128xf32, #tpu.memory_space<vmem>>, %arg5: memref<1x2048x128xf32, #tpu.memory_space<vmem>>) attributes {dimension_semantics = [#tpu.dimension_semantics<arbitrary>, #tpu.dimension_semantics<arbitrary>], iteration_bounds = array<i64: 50, 8>, scalar_prefetch = 0 : i64, scratch_operands = 0 : i64, tpu.core_type = #tpu.core_type<tc>, window_params = [{transform_indices = @transform_0, window_bounds = array<i64: 2048, 128>}, {pipeline_mode = #tpu.pipeline_mode<synchronous>, transform_indices = @transform_1, window_bounds = array<i64: 128, 128>}, {pipeline_mode = #tpu.pipeline_mode<synchronous>, transform_indices = @transform_2, window_bounds = array<i64: 1, 128>}, {transform_indices = @transform_3, window_bounds = array<i64: 1, 2048, 128>}]} {
    %get3A = arith.constant 0 : index
    %get3A_0 = arith.constant 0 : index
    %get3A_1 = vector.load %arg2[%get3A, %get3A_0] : memref<2048x128xf32, #tpu.memory_space<vmem>>, vector<2048x128xf32>
    %max3A = arith.constant 0.000000e+00 : f32
    %max3A_2 = vector.broadcast %max3A : f32 to vector<2048x128xf32>
    %max3A_3 = arith.maximumf %get3A_1, %max3A_2 : vector<2048x128xf32>
    %get3A_4 = arith.constant 0 : index
    %get3A_5 = arith.constant 0 : index
    %get3A_6 = vector.load %arg3[%get3A_4, %get3A_5] : memref<128x128xf32, #tpu.memory_space<vmem>>, vector<128x128xf32>
    %dot_general3A = arith.constant dense<0.000000e+00> : vector<2048x128xf32>
    %dot_general3A_7 = tpu.matmul %max3A_3, %get3A_6, %dot_general3A {dimension_numbers = #tpu.dot_dimension_numbers<[1], [0], [0], [1], [0, 0, 1, 1], [], []>, transpose_lhs_hint = false} : vector<2048x128xf32>, vector<128x128xf32>, vector<2048x128xf32> -> vector<2048x128xf32>
    %get3A_8 = arith.constant 0 : index
    %get3A_9 = arith.constant 0 : index
    %get3A_10 = vector.load %arg4[%get3A_8, %get3A_9] : memref<1x128xf32, #tpu.memory_space<vmem>>, vector<1x128xf32>
    %add3A = vector.broadcast %get3A_10 : vector<1x128xf32> to vector<2048x128xf32>
    %add3A_11 = arith.addf %dot_general3A_7, %add3A : vector<2048x128xf32>
    %swap3A = arith.constant 0 : index
    %swap3A_12 = arith.constant 0 : index
    %swap3A_13 = arith.constant 0 : index
    %swap3A_14 = vector.load %arg5[%swap3A, %swap3A_12, %swap3A_13] : memref<1x2048x128xf32, #tpu.memory_space<vmem>>, vector<1x2048x128xf32>
    %swap3A_15 = vector.shape_cast %swap3A_14 : vector<1x2048x128xf32> to vector<2048x128xf32>
    %swap3A_16 = vector.shape_cast %add3A_11 : vector<2048x128xf32> to vector<1x2048x128xf32>
    tpu.vector_store %arg5[%swap3A, %swap3A_12, %swap3A_13], %swap3A_16 {strides = array<i32>} : memref<1x2048x128xf32, #tpu.memory_space<vmem>>, vector<1x2048x128xf32>,
    return
  }
  func.func @transform_0(%arg0: i32, %arg1: i32) -> (i32, i32) {
    %mul3A = arith.constant 8 : i32
    %mul3A_0 = arith.muli %arg0, %mul3A : i32
    %add3A = arith.addi %mul3A_0, %arg1 : i32
    %c0_i32 = arith.constant 0 : i32
    %c0_i32_1 = arith.constant 0 : i32
    return %add3A, %c0_i32 : i32, i32
  }
  func.func @transform_1(%arg0: i32, %arg1: i32) -> (i32, i32) {
    %c0_i32 = arith.constant 0 : i32
    %c0_i32_0 = arith.constant 0 : i32
    %c0_i32_1 = arith.constant 0 : i32
    return %c0_i32, %c0_i32_0 : i32, i32
  }
  func.func @transform_2(%arg0: i32, %arg1: i32) -> (i32, i32) {
    %c0_i32 = arith.constant 0 : i32
    %c0_i32_0 = arith.constant 0 : i32
    %c0_i32_1 = arith.constant 0 : i32
    return %c0_i32, %c0_i32_0 : i32, i32
  }
  func.func @transform_3(%arg0: i32, %arg1: i32) -> (i32, i32, i32) {
    %c0_i32 = arith.constant 0 : i32
    %c0_i32_0 = arith.constant 0 : i32
    return %arg0, %arg1, %c0_i32 : i32, i32, i32
  }
}

</mosaic_0001>

<sc_bundles>
// kernel: kernel.10.cloned.1.call-start
scs
__scs_entry_jumppad:
0x0: {  	(pc) =	sbr.rel $0x88, $3  }
0x1: {  	(tag) =	ssettag $0x0;
	lr =	simm.s32 $0x1  }
0x2: {  	[smem:$0x3F99] =	sst lr;
	_ =	strace $0xD0000000  }
0x3: {  	_ = 	snop  }
0x4: {  	_ = 	snop  }
0x5: {  	_ = 	snop  }
0x6: {  	_ = 	snop  }
0x7: {  	_ = 	snop  }
__scs_overlays_trampoline_lowered:
0x8: {  	[smem:$0x3FA8] =	sst s0  }
0x9: {  	[smem:$0x3FA9] =	sst s1  }
0xa: {  	[smem:$0x3FAA] =	sst s2  }
0xb: {  	[smem:$0x3FAB] =	sst s3  }
0xc: {  	[smem:$0x3FAC] =	sst s4  }
0xd: {  	[smem:$0x3FAD] =	sst s5  }
0xe: {  	[smem:$0x3FAE] =	sst s6  }
0xf: {  	[smem:$0x3FAF] =	sst s7  }
0x10: {  	[smem:$0x3FB0] =	sst s8  }
0x11: {  	[smem:$0x3FB1] =	sst s9;
	s0 =	simm.s32 @!p0 $0x0  }
0x12: {  	s1 =	sld [smem:$0x3F97];
	s0 =	simm.s32 @p0 $0x1  }
0x13: {  	[smem:$0x3FB2] =	sst s0;
	s0 =	simm.s32 @!p1 $0x0  }
0x14: {  	s2 =	sld [smem:$0x3F96];
	s0 =	simm.s32 @p1 $0x1  }
0x15: {  	[smem:$0x3FB3] =	sst s0;
	s0 =	simm.s32 @!p2 $0x0  }
0x16: {  	s3 =	sld [smem:$0x3FDB];
	s0 =	simm.s32 @p2 $0x1  }
0x17: {  	s4 =	simm.s32 $0x1BF5;
	[smem:$0x3FB5] =	sst s0  }
0x18: {  	s0 =	sld [smem:$0x3F98];
	_ =	swait.ge [sflag:s4], $0x0  }
0x19: {  	s7 =	sld [smem:$0x3F99]  }
0x1a: {  	s8 =	sadd.s32 $0xFFFFE003, lr  }
0x1b: {  	s9 =	sadd.s32 $0xFFFFFEF7, lr;
	s5 =	simm.s32 $0xFFFFFFFF;
	p2 =	slt.u32 s8, $0xFFFFF086  }
0x1c: {  	p1 =	slt.u32 s9, $0xF7A;
	s5 =	simm.s32 @!p2 $0x0  }
0x1d: {  	s5 =	simm.s32 @p1 $0x1;
	p0 =	seq.s32 s7, s2  }
0x1e: {  	s7 =	smul.u32 @!p0 $0xF7A, s2;
	p2 =	seq.s32 @!p0 s5, $0x0  }
0x1f: {  	s9 =	smul.u32 $0xF7A, s1;
	s8 =	simm.s32 @!p0 $0x1BF5;
	p2 =	por !p2, p0  }
0x20: {  	[sflag:s8] =	ssyncset.s32 @!p0 $0xFFFFF086;
	s6 =	sadd.s32 @!p0 s3, s7;
	s7 =	simm.s32 @!p0 $0x108  }
0x21: {  	s3 =	sadd.s32 s3, s9;
	s6 =	sadd.s32 @!p0 $0x88, s6;
	s7 =	simm.s32 @p2 $0x1082  }
0x22: {  	[simem:s7], [sflag:s8] =	dma.local @!p0 [hbm:s6], $0xF7A  }
0x23: {  	s9 =	sor.u32 $0xD0000000, s2;
	s6 =	simm.s32 $0x108;
	_ =	swait.ge @!p0 [sflag:s8], $0x0  }
0x24: {  	s3 =	sadd.s32 $0x88, s3;
	s6 =	simm.s32 @!p1 $0x1082;
	[sflag:s4] =	ssyncset.s32 $0xFFFFF086  }
0x25: {  	[simem:s6], [sflag:s4] =	dma.local [hbm:s3], $0xF7A  }
0x26: {  	[smem:$0x3F99] =	sst s1;
	(tag) =	ssettag s2;
	_ =	strace s9  }
0x27: {  	s1 =	sld [smem:$0x3FA9]  }
0x28: {  	s2 =	sld [smem:$0x3FAA]  }
0x29: {  	s4 =	sld [smem:$0x3FAC]  }
0x2a: {  	p0 =	seq.s32 s5, $0x0;
	s5 =	sld [smem:$0x3FAD]  }
0x2b: {  	s6 =	sld [smem:$0x3FAE]  }
0x2c: {  	s7 =	sld [smem:$0x3FAF]  }
0x2d: {  	s3 =	simm.s32 $0x108;
	s8 =	sld [smem:$0x3FB0]  }
0x2e: {  	s3 =	simm.s32 @!p0 $0x1082;
	s9 =	sld [smem:$0x3FB1]  }
0x2f: {  	lr =	sadd.s32 s0, s3;
	s0 =	sld [smem:$0x3FA8]  }
0x30: {  	s3 =	sld [smem:$0x3FAB]  }
0x31: {  	[smem:$0x3FB4] =	sst s10  }
0x32: {  	s10 =	sld [smem:$0x3FB2];
	_ =	sdelay $0x3  }
0x33: {  	p0 =	seq.s32 s10, $0x1;
	s10 =	sld [smem:$0x3FB4];
	_ =	sdelay $0x3  }
0x34: {  	[smem:$0x3FB4] =	sst s10  }
0x35: {  	s10 =	sld [smem:$0x3FB3];
	_ =	sdelay $0x3  }
0x36: {  	p1 =	seq.s32 s10, $0x1;
	s10 =	sld [smem:$0x3FB4];
	_ =	sdelay $0x3  }
0x37: {  	[smem:$0x3FB4] =	sst s10  }
0x38: {  	s10 =	sld [smem:$0x3FB5]  }
0x39: {  	_ = 	snop;
	(pc) =	sbr.ind lr, $3  }
0x3a: {  	_ = 	snop  }
0x3b: {  	_ = 	snop  }
0x3c: {  	p2 =	seq.s32 s10, $0x1;
	s10 =	sld [smem:$0x3FB4]  }
0x3d: {  	_ =	shalt  }
0x3e: {  	_ =	shalt  }
0x3f: {  	_ =	shalt  }
0x40: {  	_ =	shalt  }
0x41: {  	_ =	shalt  }
0x42: {  	_ =	shalt  }
0x43: {  	_ =	shalt  }
0x44: {  	_ =	shalt  }
0x45: {  	_ =	shalt  }
0x46: {  	_ =	shalt  }
0x47: {  	_ =	shalt  }
0x48: {  	_ =	shalt  }
0x49: {  	_ =	shalt  }
0x4a: {  	_ =	shalt  }
0x4b: {  	_ =	shalt  }
0x4c: {  	_ =	shalt  }
0x4d: {  	_ =	shalt  }
0x4e: {  	_ =	shalt  }
0x4f: {  	_ =	shalt  }
0x50: {  	_ =	shalt  }
0x51: {  	_ =	shalt  }
0x52: {  	_ =	shalt  }
0x53: {  	_ =	shalt  }
0x54: {  	_ =	shalt  }
0x55: {  	_ =	shalt  }
0x56: {  	_ =	shalt  }
0x57: {  	_ =	shalt  }
0x58: {  	_ =	shalt  }
0x59: {  	_ =	shalt  }
0x5a: {  	_ =	shalt  }
0x5b: {  	_ =	shalt  }
0x5c: {  	_ =	shalt  }
0x5d: {  	_ =	shalt  }
0x5e: {  	_ =	shalt  }
0x5f: {  	_ =	shalt  }
0x60: {  	_ =	shalt  }
0x61: {  	_ =	shalt  }
0x62: {  	_ =	shalt  }
0x63: {  	_ =	shalt  }
0x64: {  	_ =	shalt  }
0x65: {  	_ =	shalt  }
0x66: {  	_ =	shalt  }
0x67: {  	_ =	shalt  }
0x68: {  	_ =	shalt  }
0x69: {  	_ =	shalt  }
0x6a: {  	_ =	shalt  }
0x6b: {  	_ =	shalt  }
0x6c: {  	_ =	shalt  }
0x6d: {  	_ =	shalt  }
0x6e: {  	_ =	shalt  }
0x6f: {  	_ =	shalt  }
0x70: {  	_ =	shalt  }
0x71: {  	_ =	shalt  }
0x72: {  	_ =	shalt  }
0x73: {  	_ =	shalt  }
0x74: {  	_ =	shalt  }
0x75: {  	_ =	shalt  }
0x76: {  	_ =	shalt  }
0x77: {  	_ =	shalt  }
0x78: {  	_ =	shalt  }
0x79: {  	_ =	shalt  }
0x7a: {  	_ =	shalt  }
0x7b: {  	_ =	shalt  }
0x7c: {  	_ =	shalt  }
0x7d: {  	_ =	shalt  }
0x7e: {  	_ =	shalt  }
0x7f: {  	_ =	shalt  }
0x80: {  	_ =	shalt  }
0x81: {  	_ =	shalt  }
0x82: {  	_ =	shalt  }
0x83: {  	_ =	shalt  }
0x84: {  	_ =	shalt  }
0x85: {  	_ =	shalt  }
0x86: {  	_ =	shalt  }
0x87: {  	_ =	shalt  }
.Lfunc_end0:
.L_simem_size_0:
called_computation.1_lowered:
.L_overlay_start_0:
0x88: {  	s2 =	sld [smem:$0x3FD9]  }
0x89: {  	s3 =	sld [smem:$0x3FFE];
	_ =	sdelay $0x1  }
0x8a: {  	s1 =	srdreg.scid  }
0x8b: {  	s0 =	sand.u32 $0x1, s1  }
0x8c: {  	s17 =	sshll.u32 s0, $0xA;
	s2 =	sadd.s32 s3, s2  }
0x8d: {  	s2 =	sadd.s32 s2, s17  }
0x8e: {  	[smem:$0x3FC0] =	sst s2  }
0x8f: {  	_ = 	snop  }
0x90: {  	s2 =	sld [smem:$0x3FD0];
	(tm) =	ssettm $0x1  }
0x91: {  	s18 =	sld [smem:$0x3FFB];
	_ =	sdelay $0x3  }
0x92: {  	_ =	strace s18  }
0x93: {  	s3 =	sld [smem:$0x3FFC];
	_ =	sdelay $0x3  }
0x94: {  	_ =	strace s3  }
0x95: {  	s3 =	sld [smem:$0x3FFD];
	_ =	sdelay $0x3  }
0x96: {  	_ =	strace s3  }
0x97: {  	_ =	strace $0x8FFFFFFF  }
0x98: {  	s19 =	sld [smem:$0x3FDB];
	_ =	sdelay $0x1  }
0x99: {  	s4 =	simm.s32 $_scs_section_size  }
0x9a: {  	s5 =	simm.s32 $_size__tile_overlayer_lowered;
	s6 =	simm.s32 $_tile_overlayer_lowered  }
0x9b: {  	s22 =	simm.s32 $0x1BFF;
	s21 =	sshll.u32 s6, $0x1;
	s3 =	sadd.s32 s4, s19  }
0x9c: {  	s7 =	simm.s32 $0x0;
	s20 =	sshll.u32 s5, $0x1;
	s5 =	sadd.s32 s21, s3  }
0x9d: {  	[timem:s7], [sflag:s22] =	dma.local [hbm:s5], s20  }
0x9e: {  	_ =	swait.ge [sflag:s22], s20  }
0x9f: {  	s4 =	ssub.s32 $0x0, s20;
	[sflag:s22] =	ssyncset.done $0x0  }
0xa0: {  	[sflag:s22] =	ssyncadd.s32 s4;
	_ =	sdelay $0x1  }
0xa1: {  	s23 =	simm.s32 $0x1B8B  }
0xa2: {  	_ =	swait.ge [sflag:s23], $0x1  }
0xa3: {  	[sflag:s23] =	ssyncset.done $0x0  }
0xa4: {  	s25 =	simm.s32 $0x1B8E;
	s24 =	sld [smem:$0x3FFE];
	[sflag:s23] =	ssyncadd.s32 $0xFFFFFFFF  }
0xa5: {  	s26 =	simm.s32 $execute0_lowered;
	[smem:$0x3FD2] =	sst s25  }
0xa6: {  	s5 =	sshll.u32 s26, $0x1;
	_ =	strace $0x80000049;
	[dreg:$0x1] =	wrdreg $0xFFFFFFFF  }
0xa7: {  	s28 =	simm.s32 $_size_execute0_lowered;
	s3 =	sadd.s32 s3, s5;
	[dreg:$0x0] =	wrdreg $0x0  }
0xa8: {  	s5 =	sshll.u32 s28, $0x1;
	[dreg:$0x2] =	wrdreg s3  }
0xa9: {  	[dreg:$0x3] =	wrdreg s5  }
0xaa: {  	[dreg:$0x4] =	wrdreg $0xC0  }
0xab: {  	_ =	task [dreg:s7], $0x5FFFF  }
0xac: {  	[dreg:$0x1] =	wrdreg $0xFFFFFFFF  }
0xad: {  	[dreg:$0x0] =	wrdreg $0x60  }
0xae: {  	[dreg:$0x2] =	wrdreg s24  }
0xaf: {  	[dreg:$0x3] =	wrdreg s2  }
0xb0: {  	[dreg:$0x4] =	wrdreg $0x9  }
0xb1: {  	_ =	task.clear_ibuf [dreg:s7], $0x5FFFF;
	_ =	strace $0x90000049  }
0xb2: {  	s29 =	simm.s32 $0x9;
	_ =	strace $0x8000004B  }
0xb3: {  	_ =	swait.ge [sflag:s29], $0x1  }
0xb4: {  	[sflag:s29] =	ssyncadd.s32 $0xFFFFFFFF  }
0xb5: {  	_ =	strace $0x9000004B  }
0xb6: {  	_ =	sfence  }
0xb7: {  	s30 =	sld [smem:$0x0];
	_ =	sdelay $0x2  }
0xb8: {  	s31 =	sshll.u32 s1, $0xD;
	s1 =	sshrl.u32 s1, $0x2  }
0xb9: {  	s3 =	sand.u32 $0x4000, s31;
	s1 =	sadd.s32 s1, s30  }
0xba: {  	s0 =	sor.u32 s3, s0;
	s1 =	sshll.u32 s1, $0x11  }
0xbb: {  	s0 =	sor.u32 s1, s0  }
0xbc: {  	s0 =	sadd.s32 $0x8F2B, s0  }
0xbd: {  	[sflag:s0] =	ssyncadd.remote.s32 $0x1  }
0xbe: {  	_ =	sfence.sel $0xFFFF  }
0xbf: {  	[dreg:$0x0] =	wrdreg $0xFFFFFFFF;
	(pc) =	sbr.abs _section_cstart, $3  }
0xc0: {  	[dreg:$0x1] =	wrdreg $0xFFFFFFFF  }
0xc1: {  	_ =	task.clear_ibuf [dreg:s7], $0x2FFFF;
	_ =	strace $0x9FFFFFFF  }
0xc2: {  	(tm) =	ssettm $0x7FFFFFFF  }
0xc3: {  	_ =	shalt  }
tec
execute0_lowered:
.L_overlay_start_1:
0x0: {  	(tag) =	ssettag $0x1  }
0x1: {  	s0 =	rddreg [dreg:$0x0]  }
0x2: {  	s2 =	rddreg [dreg:$0x1]  }
0x3: {  	s1 =	srdreg.scid;
	s4 =	stileid.u32;
	s3 =	simm.s32 $0x0  }
0x4: {  	s17 =	simm.s32 $0x5;
	s18 =	simm.s32 $0x100;
	s19 =	simm.s32 $0x80  }
0x5: {  	s21 =	simm.s32 $0x8200;
	s22 =	simm.s32 $0x180;
	s23 =	simm.s32 $0x4200  }
0x6: {  	s24 =	simm.s32 $0xC200;
	s28 =	simm.s32 $0x2;
	s29 =	simm.s32 $0x4  }
0x7: {  	s30 =	simm.s32 $0x0;
	s1 =	sand.u32 $0x1, s1;
	s4 =	sshll.u32 s4, $0x1  }
0x8: {  	[smem:$0x7FF] =	sst s3;
	s5 =	sadd.s32 $0x2A00, s0;
	s6 =	sadd.s32 $0x1BA00, s0  }
0x9: {  	s7 =	sadd.s32 $0x38A00, s0;
	s12 =	sor.u32 s1, s4;
	s1 =	ssub.s32 $0x2, s1  }
0xa: {  	_ =	strace $0x8000004A;
	s15 =	smul.u32 $0x6400, s12;
	s25 =	sshrl.u32 s1, $0x1  }
0xb: {  	s4 =	sadd.s32 $0x1FA00, s0;
	s12 =	smul.u32 $0x320000, s12;
	s0 =	ssub.s32 s1, s25  }
.Ltmp0:
0xc: {  	s25 =	simm.s32 $0x1;
	s9 =	sshrl.u32 s15, $0x3;
	(pc) =	sbr.rel .LBB2_1-.Ltmp0, $4  }
0xd: {  	s13 =	sor.u32 $0x100, s15;
	s14 =	sor.u32 $0x80, s15;
	s26 =	sadd.s32 s4, s9  }
0xe: {  	s15 =	sor.u32 $0x180, s15;
	s8 =	sadd.s32 s5, s9;
	[dreg:$0x3] =	wrdreg s26  }
0xf: {  	s16 =	smax.u32 s0, $0x1;
	s31 =	sor.u32 $0x10, s9;
	[dreg:$0x4] =	wrdreg s8  }
0x10: {  	s10 =	sadd.s32 s4, s31;
	s11 =	sadd.s32 s5, s31;
	s26 =	simm.s32 $0x3  }
.LBB2_8:
0x11: {  	s30 =	sadd.s32 $0x1, s30  }
0x12: {  	p0 =	sne.s32 s30, s16  }
.Ltmp1:
0x13: {  	_ = 	snop;
	(pc) =	sbr.rel @!p0 .LBB2_9-.Ltmp1, $1  }
0x14: {  	_ =	sdelay $0x3  }
.LBB2_1:
0x15: {  	s0 =	rddreg [dreg:$0x3]  }
0x16: {  	[tilespmem:s3], [sflag:$0x5] =	stream.linear.gather [hbm4b:s0+s3], $0x80, $0x38;
	[tilespmem:$0x10200] =	vst v63  }
0x17: {  	_ =	swait.ge [sflag:s17], $0x80  }
0x18: {  	[sflag:s17] =	ssyncset.done $0x0  }
0x19: {  	s9 =	rddreg [dreg:$0x4];
	[sflag:s17] =	ssyncadd.s32 $0xFFFFFF80  }
0x1a: {  	[tilespmem:s18], [sflag:$0x5] =	stream.linear.gather [hbm4b:s9+s3], $0x80, $0x38;
	[tilespmem:$0x10200] =	vst v63  }
0x1b: {  	_ =	swait.ge [sflag:s17], $0x80  }
0x1c: {  	[sflag:s17] =	ssyncset.done $0x0  }
0x1d: {  	s20 =	simm.s32 $0x200;
	[sflag:s17] =	ssyncadd.s32 $0xFFFFFF80  }
0x1e: {  	[tilespmem:s20], [sflag:$0x1] =	stream.indirect.gather [hbm4b:s6+s19], $0x80, s3, s19, $0xb8;
	[tilespmem:$0x10200] =	vst v63  }
0x1f: {  	_ = 	snop  }
0x20: {  	[tilespmem:s21], [sflag:$0x3] =	stream.indirect.gather [hbm4b:s2+s19], $0x80, s18, s19, $0xb8;
	[tilespmem:$0x10200] =	vst v63  }
0x21: {  	_ = 	snop  }
0x22: {  	[tilespmem:s19], [sflag:$0x5] =	stream.linear.gather [hbm4b:s10+s3], $0x80, $0x38;
	[tilespmem:$0x10200] =	vst v63  }
0x23: {  	_ =	swait.ge [sflag:s17], $0x80  }
0x24: {  	[sflag:s17] =	ssyncset.done $0x0  }
0x25: {  	[sflag:s17] =	ssyncadd.s32 $0xFFFFFF80  }
0x26: {  	[tilespmem:s22], [sflag:$0x5] =	stream.linear.gather [hbm4b:s11+s3], $0x80, $0x38;
	[tilespmem:$0x10200] =	vst v63  }
0x27: {  	_ =	swait.ge [sflag:s17], $0x80  }
0x28: {  	[sflag:s17] =	ssyncset.done $0x0  }
0x29: {  	[sflag:s17] =	ssyncadd.s32 $0xFFFFFF80  }
0x2a: {  	[tilespmem:s23], [sflag:$0x2] =	stream.indirect.gather [hbm4b:s6+s19], $0x80, s19, s19, $0xb8;
	[tilespmem:$0x10200] =	vst v63  }
0x2b: {  	s31 =	simm.s32 $0x0  }
0x2c: {  	[tilespmem:s24], [sflag:$0x4] =	stream.indirect.gather [hbm4b:s2+s19], $0x80, s22, s19, $0xb8;
	[tilespmem:$0x10200] =	vst v63  }
.LBB2_2:
0x2d: {  	_ =	swait.ge [sflag:s25], $0x4000  }
0x2e: {  	[sflag:s25] =	ssyncset.done $0x0  }
0x2f: {  	[sflag:s25] =	ssyncadd.s32 $0xFFFFC000  }
0x30: {  	_ =	swait.ge [sflag:s26], $0x4000  }
0x31: {  	[sflag:s26] =	ssyncset.done $0x0  }
0x32: {  	s0 =	simm.s32 $0x0;
	[sflag:s26] =	ssyncadd.s32 $0xFFFFC000  }
0x33: {  	v7 =	vld [tilespmem:s0+$0x200]  }
0x34: {  	v11 =	vld [tilespmem:s0+$0x210]  }
0x35: {  	v5 =	vld [tilespmem:s0+$0x220]  }
0x36: {  	v4 =	vld [tilespmem:s0+$0x230]  }
0x37: {  	v3 =	vld [tilespmem:s0+$0x240]  }
0x38: {  	v2 =	vld [tilespmem:s0+$0x250]  }
0x39: {  	v1 =	vld [tilespmem:s0+$0x260]  }
0x3a: {  	v0 =	vld [tilespmem:s0+$0x270]  }
0x3b: {  	v12 =	vld [tilespmem:s0+$0x8200]  }
0x3c: {  	v13 =	vld [tilespmem:s0+$0x8210]  }
0x3d: {  	v10 =	vld [tilespmem:s0+$0x8220]  }
0x3e: {  	v9 =	vld [tilespmem:s0+$0x8230]  }
0x3f: {  	v8 =	vld [tilespmem:s0+$0x8240]  }
0x40: {  	v6 =	vld [tilespmem:s0+$0x8250];
	v12 =	vadd.f32 v12, v7  }
0x41: {  	s1 =	simm.s32 $0x200;
	v11 =	vadd.f32 v13, v11;
	v7 =	vld [tilespmem:s0+$0x8260]  }
.LBB2_3:
0x42: {  	s20 =	sshra.s32 s1, $0x2;
	p0 =	sne.s32 s1, $0xFE00;
	[tilespmem:s0+$0x8200] =	vst v12;
	v5 =	vadd.f32 v10, v5;
	v10 =	vld [tilespmem:s0+$0x8270]  }
0x43: {  	v12 =	vld [tilespmem:s20+$0x200];
	[tilespmem:s0+$0x8210] =	vst v11;
	v4 =	vadd.f32 v9, v4  }
0x44: {  	v11 =	vld [tilespmem:s20+$0x210];
	[tilespmem:s0+$0x8220] =	vst v5;
	v3 =	vadd.f32 v8, v3  }
0x45: {  	v5 =	vld [tilespmem:s20+$0x220];
	[tilespmem:s0+$0x8230] =	vst v4;
	v2 =	vadd.f32 v6, v2  }
0x46: {  	v4 =	vld [tilespmem:s20+$0x230];
	[tilespmem:s0+$0x8240] =	vst v3;
	v1 =	vadd.f32 v7, v1  }
0x47: {  	v3 =	vld [tilespmem:s20+$0x240];
	[tilespmem:s0+$0x8250] =	vst v2;
	v0 =	vadd.f32 v10, v0  }
0x48: {  	v2 =	vld [tilespmem:s20+$0x250];
	[tilespmem:s0+$0x8260] =	vst v1  }
0x49: {  	v1 =	vld [tilespmem:s20+$0x260];
	[tilespmem:s0+$0x8270] =	vst v0;
	s0 =	smov.u32 s20  }
0x4a: {  	v0 =	vld [tilespmem:s0+$0x270]  }
0x4b: {  	v6 =	vld [tilespmem:s0+$0x8200]  }
0x4c: {  	v7 =	vld [tilespmem:s0+$0x8210]  }
.Ltmp2:
0x4d: {  	v10 =	vld [tilespmem:s0+$0x8220];
	(pc) =	sbr.rel @p0 .LBB2_3-.Ltmp2, $4  }
0x4e: {  	v9 =	vld [tilespmem:s0+$0x8230]  }
0x4f: {  	v8 =	vld [tilespmem:s0+$0x8240]  }
0x50: {  	v12 =	vadd.f32 v6, v12;
	v6 =	vld [tilespmem:s0+$0x8250]  }
0x51: {  	s1 =	sadd.s32 $0x200, s1;
	v11 =	vadd.f32 v7, v11;
	v7 =	vld [tilespmem:s0+$0x8260]  }
0x52: {  	[tilespmem:s0+$0x8200] =	vst v12;
	v5 =	vadd.f32 v10, v5;
	v10 =	vld [tilespmem:s0+$0x8270]  }
0x53: {  	[tilespmem:s0+$0x8210] =	vst v11;
	v4 =	vadd.f32 v9, v4  }
0x54: {  	[tilespmem:s0+$0x8220] =	vst v5;
	v3 =	vadd.f32 v8, v3  }
0x55: {  	[tilespmem:s0+$0x8230] =	vst v4;
	v2 =	vadd.f32 v6, v2  }
0x56: {  	s1 =	sshll.u32 s31, $0xF;
	[tilespmem:s0+$0x8240] =	vst v3;
	v1 =	vadd.f32 v7, v1  }
0x57: {  	s1 =	sadd.s32 s12, s1;
	[tilespmem:s0+$0x8250] =	vst v2;
	v0 =	vadd.f32 v10, v0  }
0x58: {  	s1 =	sshrl.u32 s1, $0x3;
	[tilespmem:s0+$0x8260] =	vst v1  }
0x59: {  	p0 =	seq.s32 s31, $0x63;
	s20 =	sadd.s32 s7, s1;
	[tilespmem:s0+$0x8270] =	vst v0;
	s0 =	sshll.u32 s31, $0x8  }
0x5a: {  	[hbm4b:s20+s3] =	stream.linear.scatter [tilespmem:s21], [sflag:$0x5], $0x4000, $0x38;
	[tilespmem:$0x10200] =	vst v63  }
0x5b: {  	s1 =	sadd.s32 @!p0 s0, s13;
	_ =	swait.ge [sflag:s17], $0x4000  }
0x5c: {  	s1 =	sshrl.u32 @!p0 s1, $0x3;
	[sflag:s17] =	ssyncset.done $0x0  }
0x5d: {  	s8 =	simm.s32 @!p0 $0x0;
	s20 =	sadd.s32 @!p0 s4, s1;
	[sflag:s17] =	ssyncadd.s32 $0xFFFFC000  }
0x5e: {  	[tilespmem:s8], [sflag:$0x5] =	stream.linear.gather @!p0 [hbm4b:s20+s8], $0x80, $0x38;
	[tilespmem:$0x10200] =	vst v63  }
0x5f: {  	s20 =	simm.s32 @!p0 $0x5  }
0x60: {  	_ =	swait.ge @!p0 [sflag:s20], $0x80  }
0x61: {  	[sflag:s20] =	ssyncset.done @!p0 $0x0  }
0x62: {  	s9 =	simm.s32 @!p0 $0x100;
	s1 =	sadd.s32 @!p0 s5, s1;
	[sflag:s20] =	ssyncadd.s32 @!p0 $0xFFFFFF80  }
0x63: {  	[tilespmem:s9], [sflag:$0x5] =	stream.linear.gather @!p0 [hbm4b:s1+s8], $0x80, $0x38;
	[tilespmem:$0x10200] =	vst v63  }
0x64: {  	_ =	swait.ge @!p0 [sflag:s20], $0x80  }
0x65: {  	[sflag:s20] =	ssyncset.done @!p0 $0x0  }
0x66: {  	s1 =	simm.s32 @!p0 $0x80;
	[sflag:s20] =	ssyncadd.s32 @!p0 $0xFFFFFF80;
	s20 =	simm.s32 @!p0 $0x200  }
0x67: {  	[tilespmem:s20], [sflag:$0x1] =	stream.indirect.gather @!p0 [hbm4b:s6+s1], $0x80, s8, s1, $0xb8;
	[tilespmem:$0x10200] =	vst v63  }
0x68: {  	s8 =	simm.s32 @!p0 $0x8200  }
0x69: {  	[tilespmem:s8], [sflag:$0x3] =	stream.indirect.gather @!p0 [hbm4b:s2+s1], $0x80, s9, s1, $0xb8;
	[tilespmem:$0x10200] =	vst v63  }
0x6a: {  	_ =	swait.ge [sflag:s28], $0x4000  }
0x6b: {  	[sflag:s28] =	ssyncset.done $0x0  }
0x6c: {  	[sflag:s28] =	ssyncadd.s32 $0xFFFFC000  }
0x6d: {  	_ =	swait.ge [sflag:s29], $0x4000  }
0x6e: {  	[sflag:s29] =	ssyncset.done $0x0  }
0x6f: {  	s1 =	simm.s32 $0x0;
	[sflag:s29] =	ssyncadd.s32 $0xFFFFC000  }
0x70: {  	v7 =	vld [tilespmem:s1+$0x4200]  }
0x71: {  	v11 =	vld [tilespmem:s1+$0x4210]  }
0x72: {  	v5 =	vld [tilespmem:s1+$0x4220]  }
0x73: {  	v4 =	vld [tilespmem:s1+$0x4230]  }
0x74: {  	v3 =	vld [tilespmem:s1+$0x4240]  }
0x75: {  	v2 =	vld [tilespmem:s1+$0x4250]  }
0x76: {  	v1 =	vld [tilespmem:s1+$0x4260]  }
0x77: {  	v0 =	vld [tilespmem:s1+$0x4270]  }
0x78: {  	v12 =	vld [tilespmem:s1+$0xC200]  }
0x79: {  	v13 =	vld [tilespmem:s1+$0xC210]  }
0x7a: {  	v10 =	vld [tilespmem:s1+$0xC220]  }
0x7b: {  	v9 =	vld [tilespmem:s1+$0xC230]  }
0x7c: {  	v8 =	vld [tilespmem:s1+$0xC240]  }
0x7d: {  	v6 =	vld [tilespmem:s1+$0xC250];
	v12 =	vadd.f32 v12, v7  }
0x7e: {  	s20 =	simm.s32 $0x200;
	v11 =	vadd.f32 v13, v11;
	v7 =	vld [tilespmem:s1+$0xC260]  }
.LBB2_5:
0x7f: {  	s8 =	sshra.s32 s20, $0x2;
	p1 =	sne.s32 s20, $0xFE00;
	[tilespmem:s1+$0xC200] =	vst v12;
	v5 =	vadd.f32 v10, v5;
	v10 =	vld [tilespmem:s1+$0xC270]  }
0x80: {  	v12 =	vld [tilespmem:s8+$0x4200];
	[tilespmem:s1+$0xC210] =	vst v11;
	v4 =	vadd.f32 v9, v4  }
0x81: {  	v11 =	vld [tilespmem:s8+$0x4210];
	[tilespmem:s1+$0xC220] =	vst v5;
	v3 =	vadd.f32 v8, v3  }
0x82: {  	v5 =	vld [tilespmem:s8+$0x4220];
	[tilespmem:s1+$0xC230] =	vst v4;
	v2 =	vadd.f32 v6, v2  }
0x83: {  	v4 =	vld [tilespmem:s8+$0x4230];
	[tilespmem:s1+$0xC240] =	vst v3;
	v1 =	vadd.f32 v7, v1  }
0x84: {  	v3 =	vld [tilespmem:s8+$0x4240];
	[tilespmem:s1+$0xC250] =	vst v2;
	v0 =	vadd.f32 v10, v0  }
0x85: {  	v2 =	vld [tilespmem:s8+$0x4250];
	[tilespmem:s1+$0xC260] =	vst v1  }
0x86: {  	v1 =	vld [tilespmem:s8+$0x4260];
	[tilespmem:s1+$0xC270] =	vst v0;
	s1 =	smov.u32 s8  }
0x87: {  	v0 =	vld [tilespmem:s1+$0x4270]  }
0x88: {  	v6 =	vld [tilespmem:s1+$0xC200]  }
0x89: {  	v7 =	vld [tilespmem:s1+$0xC210]  }
.Ltmp3:
0x8a: {  	v10 =	vld [tilespmem:s1+$0xC220];
	(pc) =	sbr.rel @p1 .LBB2_5-.Ltmp3, $4  }
0x8b: {  	v9 =	vld [tilespmem:s1+$0xC230]  }
0x8c: {  	v8 =	vld [tilespmem:s1+$0xC240]  }
0x8d: {  	v12 =	vadd.f32 v6, v12;
	v6 =	vld [tilespmem:s1+$0xC250]  }
0x8e: {  	s20 =	sadd.s32 $0x200, s20;
	v11 =	vadd.f32 v7, v11;
	v7 =	vld [tilespmem:s1+$0xC260]  }
0x8f: {  	[tilespmem:s1+$0xC200] =	vst v12;
	v5 =	vadd.f32 v10, v5;
	v63 =	vld [tilespmem:s1+$0xC270]  }
0x90: {  	[tilespmem:s1+$0xC210] =	vst v11;
	v4 =	vadd.f32 v9, v4  }
0x91: {  	[tilespmem:s1+$0xC220] =	vst v5;
	v3 =	vadd.f32 v8, v3  }
0x92: {  	[tilespmem:s1+$0xC230] =	vst v4;
	v2 =	vadd.f32 v6, v2  }
0x93: {  	[tilespmem:s1+$0xC240] =	vst v3;
	v1 =	vadd.f32 v7, v1  }
0x94: {  	s8 =	sadd.s32 s0, s14;
	[tilespmem:s1+$0xC250] =	vst v2;
	v0 =	vadd.f32 v63, v0  }
0x95: {  	s8 =	sshll.u32 s8, $0x4;
	[tilespmem:s1+$0xC260] =	vst v1  }
.Ltmp4:
0x96: {  	s20 =	sadd.s32 s7, s8;
	[tilespmem:s1+$0xC270] =	vst v0;
	(pc) =	sbr.rel @p0 .LBB2_8-.Ltmp4, $4  }
0x97: {  	[hbm4b:s20+s3] =	stream.linear.scatter [tilespmem:s24], [sflag:$0x5], $0x4000, $0x38;
	[tilespmem:$0x10200] =	vst v63  }
0x98: {  	_ =	swait.ge [sflag:s17], $0x4000  }
0x99: {  	[sflag:s17] =	ssyncset.done $0x0  }
0x9a: {  	[sflag:s17] =	ssyncadd.s32 $0xFFFFC000  }
0x9b: {  	s0 =	sadd.s32 s0, s15  }
0x9c: {  	s0 =	sshrl.u32 s0, $0x3  }
0x9d: {  	s1 =	sadd.s32 s4, s0  }
0x9e: {  	[tilespmem:s19], [sflag:$0x5] =	stream.linear.gather [hbm4b:s1+s3], $0x80, $0x38;
	[tilespmem:$0x10200] =	vst v63  }
0x9f: {  	_ =	swait.ge [sflag:s17], $0x80  }
0xa0: {  	[sflag:s17] =	ssyncset.done $0x0  }
0xa1: {  	s0 =	sadd.s32 s5, s0;
	[sflag:s17] =	ssyncadd.s32 $0xFFFFFF80  }
0xa2: {  	[tilespmem:s22], [sflag:$0x5] =	stream.linear.gather [hbm4b:s0+s3], $0x80, $0x38;
	[tilespmem:$0x10200] =	vst v63  }
0xa3: {  	_ =	swait.ge [sflag:s17], $0x80  }
.Ltmp5:
0xa4: {  	[sflag:s17] =	ssyncset.done $0x0;
	(pc) =	sbr.rel .LBB2_2-.Ltmp5, $4  }
0xa5: {  	[sflag:s17] =	ssyncadd.s32 $0xFFFFFF80  }
0xa6: {  	[tilespmem:s23], [sflag:$0x2] =	stream.indirect.gather [hbm4b:s6+s19], $0x80, s19, s19, $0xb8;
	[tilespmem:$0x10200] =	vst v63  }
0xa7: {  	s31 =	sadd.s32 $0x1, s31  }
0xa8: {  	[tilespmem:s24], [sflag:$0x4] =	stream.indirect.gather [hbm4b:s2+s19], $0x80, s22, s19, $0xb8;
	[tilespmem:$0x10200] =	vst v63  }
.LBB2_9:
0xa9: {  	_ =	sfence.sel $0x180000  }
0xaa: {  	[bflag:$0x0] =	sbarrier.arrive $0xFFFF  }
0xab: {  	_ =	strace $0x9000004A  }
0xac: {  	s0 =	stileid.u32;
	[bflag:$0x2] =	sbarrier.arrive $0xFFFF  }
0xad: {  	p0 =	sne.s32 s0, $0x0;
	s0 =	rddreg [dreg:$0x2]  }
0xae: {  	s0 =	sadd.s32 @!p0 $0x100000, s0  }
0xaf: {  	[sflag:s0] =	ssyncadd.tile.s32 @!p0 $0x1;
	_ =	shalt  }
.Lfunc_end2:
_tile_overlayer_lowered:
.L_overlay_start_2:
0xb0: {  	(tag) =	ssettag $0x2  }
0xb1: {  	s0 =	rddreg [dreg:$0x0];
	s2 =	stileid.u32  }
0xb2: {  	s1 =	rddreg [dreg:$0x1];
	p0 =	sne.s32 s2, $0x0  }
0xb3: {  	s3 =	rddreg [dreg:$0x2];
	[bflag:$0x3] =	sbarrier.arrive $0xFFFF;
	s2 =	simm.s32 @!p0 $0x1C05  }
0xb4: {  	[timem:s3], [sflag:s2] =	dma.local @!p0 [hbm:s0], s1  }
0xb5: {  	s0 =	simm.s32 @!p0 $0x5  }
0xb6: {  	_ =	swait.ge @!p0 [sflag:s0], s1  }
0xb7: {  	s1 =	ssub.s32 @!p0 $0x0, s1;
	[sflag:s0] =	ssyncset.done @!p0 $0x0  }
0xb8: {  	[sflag:s0] =	ssyncadd.s32 @!p0 s1  }
0xb9: {  	[bflag:$0x3] =	sbarrier.arrive $0xFFFF  }
0xba: {  	_ =	shalt  }

// kernel: kernel.7.cloned.1.call-start
scs
__scs_entry_jumppad:
0x0: {  	(pc) =	sbr.rel $0x88, $3  }
0x1: {  	(tag) =	ssettag $0x0;
	lr =	simm.s32 $0x1  }
0x2: {  	[smem:$0x3F99] =	sst lr;
	_ =	strace $0xD0000000  }
0x3: {  	_ = 	snop  }
0x4: {  	_ = 	snop  }
0x5: {  	_ = 	snop  }
0x6: {  	_ = 	snop  }
0x7: {  	_ = 	snop  }
__scs_overlays_trampoline_lowered:
0x8: {  	[smem:$0x3FA8] =	sst s0  }
0x9: {  	[smem:$0x3FA9] =	sst s1  }
0xa: {  	[smem:$0x3FAA] =	sst s2  }
0xb: {  	[smem:$0x3FAB] =	sst s3  }
0xc: {  	[smem:$0x3FAC] =	sst s4  }
0xd: {  	[smem:$0x3FAD] =	sst s5  }
0xe: {  	[smem:$0x3FAE] =	sst s6  }
0xf: {  	[smem:$0x3FAF] =	sst s7  }
0x10: {  	[smem:$0x3FB0] =	sst s8  }
0x11: {  	[smem:$0x3FB1] =	sst s9;
	s0 =	simm.s32 @!p0 $0x0  }
0x12: {  	s1 =	sld [smem:$0x3F97];
	s0 =	simm.s32 @p0 $0x1  }
0x13: {  	[smem:$0x3FB2] =	sst s0;
	s0 =	simm.s32 @!p1 $0x0  }
0x14: {  	s2 =	sld [smem:$0x3F96];
	s0 =	simm.s32 @p1 $0x1  }
0x15: {  	[smem:$0x3FB3] =	sst s0;
	s0 =	simm.s32 @!p2 $0x0  }
0x16: {  	s3 =	sld [smem:$0x3FDB];
	s0 =	simm.s32 @p2 $0x1  }
0x17: {  	s4 =	simm.s32 $0x1BF5;
	[smem:$0x3FB5] =	sst s0  }
0x18: {  	s0 =	sld [smem:$0x3F98];
	_ =	swait.ge [sflag:s4], $0x0  }
0x19: {  	s7 =	sld [smem:$0x3F99]  }
0x1a: {  	s8 =	sadd.s32 $0xFFFFE003, lr  }
0x1b: {  	s9 =	sadd.s32 $0xFFFFFEF7, lr;
	s5 =	simm.s32 $0xFFFFFFFF;
	p2 =	slt.u32 s8, $0xFFFFF086  }
0x1c: {  	p1 =	slt.u32 s9, $0xF7A;
	s5 =	simm.s32 @!p2 $0x0  }
0x1d: {  	s5 =	simm.s32 @p1 $0x1;
	p0 =	seq.s32 s7, s2  }
0x1e: {  	s7 =	smul.u32 @!p0 $0xF7A, s2;
	p2 =	seq.s32 @!p0 s5, $0x0  }
0x1f: {  	s9 =	smul.u32 $0xF7A, s1;
	s8 =	simm.s32 @!p0 $0x1BF5;
	p2 =	por !p2, p0  }
0x20: {  	[sflag:s8] =	ssyncset.s32 @!p0 $0xFFFFF086;
	s6 =	sadd.s32 @!p0 s3, s7;
	s7 =	simm.s32 @!p0 $0x108  }
0x21: {  	s3 =	sadd.s32 s3, s9;
	s6 =	sadd.s32 @!p0 $0x88, s6;
	s7 =	simm.s32 @p2 $0x1082  }
0x22: {  	[simem:s7], [sflag:s8] =	dma.local @!p0 [hbm:s6], $0xF7A  }
0x23: {  	s9 =	sor.u32 $0xD0000000, s2;
	s6 =	simm.s32 $0x108;
	_ =	swait.ge @!p0 [sflag:s8], $0x0  }
0x24: {  	s3 =	sadd.s32 $0x88, s3;
	s6 =	simm.s32 @!p1 $0x1082;
	[sflag:s4] =	ssyncset.s32 $0xFFFFF086  }
0x25: {  	[simem:s6], [sflag:s4] =	dma.local [hbm:s3], $0xF7A  }
0x26: {  	[smem:$0x3F99] =	sst s1;
	(tag) =	ssettag s2;
	_ =	strace s9  }
0x27: {  	s1 =	sld [smem:$0x3FA9]  }
0x28: {  	s2 =	sld [smem:$0x3FAA]  }
0x29: {  	s4 =	sld [smem:$0x3FAC]  }
0x2a: {  	p0 =	seq.s32 s5, $0x0;
	s5 =	sld [smem:$0x3FAD]  }
0x2b: {  	s6 =	sld [smem:$0x3FAE]  }
0x2c: {  	s7 =	sld [smem:$0x3FAF]  }
0x2d: {  	s3 =	simm.s32 $0x108;
	s8 =	sld [smem:$0x3FB0]  }
0x2e: {  	s3 =	simm.s32 @!p0 $0x1082;
	s9 =	sld [smem:$0x3FB1]  }
0x2f: {  	lr =	sadd.s32 s0, s3;
	s0 =	sld [smem:$0x3FA8]  }
0x30: {  	s3 =	sld [smem:$0x3FAB]  }
0x31: {  	[smem:$0x3FB4] =	sst s10  }
0x32: {  	s10 =	sld [smem:$0x3FB2];
	_ =	sdelay $0x3  }
0x33: {  	p0 =	seq.s32 s10, $0x1;
	s10 =	sld [smem:$0x3FB4];
	_ =	sdelay $0x3  }
0x34: {  	[smem:$0x3FB4] =	sst s10  }
0x35: {  	s10 =	sld [smem:$0x3FB3];
	_ =	sdelay $0x3  }
0x36: {  	p1 =	seq.s32 s10, $0x1;
	s10 =	sld [smem:$0x3FB4];
	_ =	sdelay $0x3  }
0x37: {  	[smem:$0x3FB4] =	sst s10  }
0x38: {  	s10 =	sld [smem:$0x3FB5]  }
0x39: {  	_ = 	snop;
	(pc) =	sbr.ind lr, $3  }
0x3a: {  	_ = 	snop  }
0x3b: {  	_ = 	snop  }
0x3c: {  	p2 =	seq.s32 s10, $0x1;
	s10 =	sld [smem:$0x3FB4]  }
0x3d: {  	_ =	shalt  }
0x3e: {  	_ =	shalt  }
0x3f: {  	_ =	shalt  }
0x40: {  	_ =	shalt  }
0x41: {  	_ =	shalt  }
0x42: {  	_ =	shalt  }
0x43: {  	_ =	shalt  }
0x44: {  	_ =	shalt  }
0x45: {  	_ =	shalt  }
0x46: {  	_ =	shalt  }
0x47: {  	_ =	shalt  }
0x48: {  	_ =	shalt  }
0x49: {  	_ =	shalt  }
0x4a: {  	_ =	shalt  }
0x4b: {  	_ =	shalt  }
0x4c: {  	_ =	shalt  }
0x4d: {  	_ =	shalt  }
0x4e: {  	_ =	shalt  }
0x4f: {  	_ =	shalt  }
0x50: {  	_ =	shalt  }
0x51: {  	_ =	shalt  }
0x52: {  	_ =	shalt  }
0x53: {  	_ =	shalt  }
0x54: {  	_ =	shalt  }
0x55: {  	_ =	shalt  }
0x56: {  	_ =	shalt  }
0x57: {  	_ =	shalt  }
0x58: {  	_ =	shalt  }
0x59: {  	_ =	shalt  }
0x5a: {  	_ =	shalt  }
0x5b: {  	_ =	shalt  }
0x5c: {  	_ =	shalt  }
0x5d: {  	_ =	shalt  }
0x5e: {  	_ =	shalt  }
0x5f: {  	_ =	shalt  }
0x60: {  	_ =	shalt  }
0x61: {  	_ =	shalt  }
0x62: {  	_ =	shalt  }
0x63: {  	_ =	shalt  }
0x64: {  	_ =	shalt  }
0x65: {  	_ =	shalt  }
0x66: {  	_ =	shalt  }
0x67: {  	_ =	shalt  }
0x68: {  	_ =	shalt  }
0x69: {  	_ =	shalt  }
0x6a: {  	_ =	shalt  }
0x6b: {  	_ =	shalt  }
0x6c: {  	_ =	shalt  }
0x6d: {  	_ =	shalt  }
0x6e: {  	_ =	shalt  }
0x6f: {  	_ =	shalt  }
0x70: {  	_ =	shalt  }
0x71: {  	_ =	shalt  }
0x72: {  	_ =	shalt  }
0x73: {  	_ =	shalt  }
0x74: {  	_ =	shalt  }
0x75: {  	_ =	shalt  }
0x76: {  	_ =	shalt  }
0x77: {  	_ =	shalt  }
0x78: {  	_ =	shalt  }
0x79: {  	_ =	shalt  }
0x7a: {  	_ =	shalt  }
0x7b: {  	_ =	shalt  }
0x7c: {  	_ =	shalt  }
0x7d: {  	_ =	shalt  }
0x7e: {  	_ =	shalt  }
0x7f: {  	_ =	shalt  }
0x80: {  	_ =	shalt  }
0x81: {  	_ =	shalt  }
0x82: {  	_ =	shalt  }
0x83: {  	_ =	shalt  }
0x84: {  	_ =	shalt  }
0x85: {  	_ =	shalt  }
0x86: {  	_ =	shalt  }
0x87: {  	_ =	shalt  }
.Lfunc_end0:
.L_simem_size_0:
called_computation_lowered:
.L_overlay_start_0:
0x88: {  	s2 =	sld [smem:$0x3FD9]  }
0x89: {  	s3 =	sld [smem:$0x3FFE];
	_ =	sdelay $0x1  }
0x8a: {  	s1 =	srdreg.scid  }
0x8b: {  	s0 =	sand.u32 $0x1, s1  }
0x8c: {  	s17 =	sshll.u32 s0, $0xA;
	s2 =	sadd.s32 s3, s2  }
0x8d: {  	s2 =	sadd.s32 s2, s17  }
0x8e: {  	[smem:$0x3FC0] =	sst s2  }
0x8f: {  	_ = 	snop  }
0x90: {  	s2 =	sld [smem:$0x3FC7];
	(tm) =	ssettm $0x1  }
0x91: {  	s18 =	sld [smem:$0x3FFB];
	_ =	sdelay $0x3  }
0x92: {  	_ =	strace s18  }
0x93: {  	s3 =	sld [smem:$0x3FFC];
	_ =	sdelay $0x3  }
0x94: {  	_ =	strace s3  }
0x95: {  	s3 =	sld [smem:$0x3FFD];
	_ =	sdelay $0x3  }
0x96: {  	_ =	strace s3  }
0x97: {  	_ =	strace $0x8FFFFFFF  }
0x98: {  	s19 =	sld [smem:$0x3FDB];
	_ =	sdelay $0x1  }
0x99: {  	s4 =	simm.s32 $_scs_section_size  }
0x9a: {  	s5 =	simm.s32 $_size__tile_overlayer_lowered;
	s6 =	simm.s32 $_tile_overlayer_lowered  }
0x9b: {  	s22 =	simm.s32 $0x1BFF;
	s21 =	sshll.u32 s6, $0x1;
	s3 =	sadd.s32 s4, s19  }
0x9c: {  	s7 =	simm.s32 $0x0;
	s20 =	sshll.u32 s5, $0x1;
	s5 =	sadd.s32 s21, s3  }
0x9d: {  	[timem:s7], [sflag:s22] =	dma.local [hbm:s5], s20  }
0x9e: {  	_ =	swait.ge [sflag:s22], s20  }
0x9f: {  	s4 =	ssub.s32 $0x0, s20;
	[sflag:s22] =	ssyncset.done $0x0  }
0xa0: {  	[sflag:s22] =	ssyncadd.s32 s4;
	_ =	sdelay $0x1  }
0xa1: {  	s23 =	simm.s32 $0x1B8B  }
0xa2: {  	_ =	swait.ge [sflag:s23], $0x1  }
0xa3: {  	[sflag:s23] =	ssyncset.done $0x0  }
0xa4: {  	s25 =	simm.s32 $0x1B8E;
	s24 =	sld [smem:$0x3FFE];
	[sflag:s23] =	ssyncadd.s32 $0xFFFFFFFF  }
0xa5: {  	s26 =	simm.s32 $execute0_lowered;
	[smem:$0x3FD2] =	sst s25  }
0xa6: {  	s5 =	sshll.u32 s26, $0x1;
	_ =	strace $0x80000046;
	[dreg:$0x1] =	wrdreg $0xFFFFFFFF  }
0xa7: {  	s28 =	simm.s32 $_size_execute0_lowered;
	s3 =	sadd.s32 s3, s5;
	[dreg:$0x0] =	wrdreg $0x0  }
0xa8: {  	s5 =	sshll.u32 s28, $0x1;
	[dreg:$0x2] =	wrdreg s3  }
0xa9: {  	[dreg:$0x3] =	wrdreg s5  }
0xaa: {  	[dreg:$0x4] =	wrdreg $0xC0  }
0xab: {  	_ =	task [dreg:s7], $0x5FFFF  }
0xac: {  	[dreg:$0x1] =	wrdreg $0xFFFFFFFF  }
0xad: {  	[dreg:$0x0] =	wrdreg $0x60  }
0xae: {  	[dreg:$0x2] =	wrdreg s24  }
0xaf: {  	[dreg:$0x3] =	wrdreg s2  }
0xb0: {  	[dreg:$0x4] =	wrdreg $0x9  }
0xb1: {  	_ =	task.clear_ibuf [dreg:s7], $0x5FFFF;
	_ =	strace $0x90000046  }
0xb2: {  	s29 =	simm.s32 $0x9;
	_ =	strace $0x80000048  }
0xb3: {  	_ =	swait.ge [sflag:s29], $0x1  }
0xb4: {  	[sflag:s29] =	ssyncadd.s32 $0xFFFFFFFF  }
0xb5: {  	_ =	strace $0x90000048  }
0xb6: {  	_ =	sfence  }
0xb7: {  	s30 =	sld [smem:$0x0];
	_ =	sdelay $0x2  }
0xb8: {  	s31 =	sshll.u32 s1, $0xD;
	s1 =	sshrl.u32 s1, $0x2  }
0xb9: {  	s3 =	sand.u32 $0x4000, s31;
	s1 =	sadd.s32 s1, s30  }
0xba: {  	s0 =	sor.u32 s3, s0;
	s1 =	sshll.u32 s1, $0x11  }
0xbb: {  	s0 =	sor.u32 s1, s0  }
0xbc: {  	s0 =	sadd.s32 $0x8F2B, s0  }
0xbd: {  	[sflag:s0] =	ssyncadd.remote.s32 $0x1  }
0xbe: {  	_ =	sfence.sel $0xFFFF  }
0xbf: {  	[dreg:$0x0] =	wrdreg $0xFFFFFFFF;
	(pc) =	sbr.abs _section_cstart, $3  }
0xc0: {  	[dreg:$0x1] =	wrdreg $0xFFFFFFFF  }
0xc1: {  	_ =	task.clear_ibuf [dreg:s7], $0x2FFFF;
	_ =	strace $0x9FFFFFFF  }
0xc2: {  	(tm) =	ssettm $0x7FFFFFFF  }
0xc3: {  	_ =	shalt  }
tec
execute0_lowered:
.L_overlay_start_1:
0x0: {  	(tag) =	ssettag $0x1  }
0x1: {  	s1 =	srdreg.scid  }
0x2: {  	s0 =	stileid.u32;
	s9 =	rddreg [dreg:$0x0];
	s6 =	sand.u32 $0x1, s1  }
0x3: {  	s2 =	rddreg [dreg:$0x1];
	s30 =	sshll.u32 s0, $0x4;
	s3 =	sshll.u32 s6, $0x3  }
0x4: {  	s7 =	simm.s32 $0x80;
	s8 =	simm.s32 $0x1;
	s10 =	sor.u32 s3, s30  }
0x5: {  	s1 =	rddreg [dreg:$0x2];
	s3 =	simm.s32 $0x0;
	s4 =	sshrl.u32 s10, $0x3  }
0x6: {  	s11 =	ssub.s32 $0x2, s6;
	[smem:$0x7FF] =	sst s3;
	s4 =	sadd.s32 s4, s9  }
0x7: {  	_ =	strace $0x80000047;
	s5 =	sadd.s32 $0x1800, s4;
	s4 =	simm.s32 $0x2  }
0x8: {  	[tilespmem:s3], [sflag:$0x2] =	stream.linear.gather [hbm4b:s5+s3], $0x8, $0x38;
	[tilespmem:$0x480] =	vst v63  }
0x9: {  	s6 =	simm.s32 $0x8;
	s12 =	sshrl.u32 s11, $0x1;
	_ =	swait.ge [sflag:s4], $0x8  }
0xa: {  	s10 =	sshll.u32 s10, $0x4;
	s31 =	ssub.s32 s11, s12;
	[sflag:s4] =	ssyncset.done $0x0  }
0xb: {  	s9 =	sadd.s32 s10, s9;
	s10 =	smax.u32 s31, $0x1;
	[sflag:s4] =	ssyncadd.s32 $0xFFFFFFF8  }
0xc: {  	[tilespmem:s7], [sflag:$0x1] =	stream.indirect.gather [hbm4b:s2+s6], $0x80, s3, s6, $0xb8;
	[tilespmem:$0x480] =	vst v63  }
0xd: {  	p0 =	sne.s32 s10, $0x1;
	_ =	swait.ge [sflag:s8], $0x400  }
.Ltmp0:
0xe: {  	[sflag:s8] =	ssyncset.done $0x0;
	(pc) =	sbr.rel @!p0 .LBB2_2-.Ltmp0, $4  }
0xf: {  	s9 =	sadd.s32 $0x1A00, s9;
	[sflag:s8] =	ssyncadd.s32 $0xFFFFFC00  }
0x10: {  	[hbm4b:s9+s3] =	stream.linear.scatter [tilespmem:s7], [sflag:$0x2], $0x400, $0x38;
	[tilespmem:$0x480] =	vst v63  }
0x11: {  	_ =	swait.ge [sflag:s4], $0x400  }
0x12: {  	s10 =	sadd.s32 $0xFFFFFFFF, s10;
	[sflag:s4] =	ssyncset.done $0x0  }
.LBB2_1:
0x13: {  	p0 =	sne.s32 s10, $0x1;
	s10 =	sadd.s32 $0xFFFFFFFF, s10;
	[sflag:s4] =	ssyncadd.s32 $0xFFFFFC00  }
0x14: {  	[tilespmem:s3], [sflag:$0x2] =	stream.linear.gather [hbm4b:s5+s3], $0x8, $0x38;
	[tilespmem:$0x480] =	vst v63  }
0x15: {  	_ =	swait.ge [sflag:s4], $0x8  }
0x16: {  	[sflag:s4] =	ssyncset.done $0x0  }
0x17: {  	[sflag:s4] =	ssyncadd.s32 $0xFFFFFFF8  }
0x18: {  	[tilespmem:s7], [sflag:$0x1] =	stream.indirect.gather [hbm4b:s2+s6], $0x80, s3, s6, $0xb8;
	[tilespmem:$0x480] =	vst v63  }
0x19: {  	_ =	swait.ge [sflag:s8], $0x400  }
.Ltmp1:
0x1a: {  	[sflag:s8] =	ssyncset.done $0x0;
	(pc) =	sbr.rel @p0 .LBB2_1-.Ltmp1, $4  }
0x1b: {  	[sflag:s8] =	ssyncadd.s32 $0xFFFFFC00  }
0x1c: {  	[hbm4b:s9+s3] =	stream.linear.scatter [tilespmem:s7], [sflag:$0x2], $0x400, $0x38;
	[tilespmem:$0x480] =	vst v63  }
0x1d: {  	_ =	swait.ge [sflag:s4], $0x400  }
0x1e: {  	[sflag:s4] =	ssyncset.done $0x0  }
.LBB2_2:
0x1f: {  	[sflag:s4] =	ssyncadd.s32 $0xFFFFFC00  }
0x20: {  	_ =	sfence.sel $0x180000  }
0x21: {  	[bflag:$0x0] =	sbarrier.arrive $0xFFFF  }
0x22: {  	p0 =	sne.s32 s0, $0x0;
	_ =	strace $0x90000047  }
0x23: {  	s0 =	sadd.s32 @!p0 $0x100000, s1;
	[bflag:$0x2] =	sbarrier.arrive $0xFFFF  }
0x24: {  	[sflag:s0] =	ssyncadd.tile.s32 @!p0 $0x1;
	_ =	shalt  }
.Lfunc_end2:
_tile_overlayer_lowered:
.L_overlay_start_2:
0x25: {  	(tag) =	ssettag $0x2  }
0x26: {  	s0 =	rddreg [dreg:$0x0];
	s2 =	stileid.u32  }
0x27: {  	s1 =	rddreg [dreg:$0x1];
	p0 =	sne.s32 s2, $0x0  }
0x28: {  	s3 =	rddreg [dreg:$0x2];
	[bflag:$0x3] =	sbarrier.arrive $0xFFFF;
	s2 =	simm.s32 @!p0 $0x1C02  }
0x29: {  	[timem:s3], [sflag:s2] =	dma.local @!p0 [hbm:s0], s1  }
0x2a: {  	s0 =	simm.s32 @!p0 $0x2  }
0x2b: {  	_ =	swait.ge @!p0 [sflag:s0], s1  }
0x2c: {  	s1 =	ssub.s32 @!p0 $0x0, s1;
	[sflag:s0] =	ssyncset.done @!p0 $0x0  }
0x2d: {  	[sflag:s0] =	ssyncadd.s32 @!p0 s1  }
0x2e: {  	[bflag:$0x3] =	sbarrier.arrive $0xFFFF  }
0x2f: {  	_ =	shalt  }

</sc_bundles>
